<compile_context>
chip_gen: v7x
topology: tpu7x:2x2x1
jax: 0.10.2.dev20260603
libtpu: 0.0.44.dev20260713+nightly
codegen_flags: <defaults>
</compile_context>

<pallas_src>
import functools

import jax
import jax.numpy as jnp
from jax import lax
from jax.experimental import pallas as pl
from jax.experimental.pallas import tpu as pltpu
from jax.experimental.pallas import tpu_sc as plsc

N = 10000
D = 256
H = 128
E = 160000
NC = 2
NS = 16
L = 16

NPAD = 10240
CHN = NPAD // NS
EPT = E // NS
CKE = 80
NCHK = 125
NB = 2
PKT = NCHK * CKE
RPT = NPAD // NS

_MESH = plsc.VectorSubcoreMesh(core_axis_name="c", subcore_axis_name="s")
_SC_PARAMS = pltpu.CompilerParams(needs_layout_passes=False)


def _rsqrt16(d):
    i = plsc.bitcast(d, jnp.int32)
    i = jnp.int32(0x5F3759DF) - lax.shift_right_logical(i, jnp.int32(1))
    y = plsc.bitcast(i, jnp.float32)
    for _ in range(3):
        y = y * (1.5 - 0.5 * d * y * y)
    return y



def _dinv_body(dst_hbm, dinv_hbm, dst_v, deg_v, part_s, red_v, tmp_v):
    c = lax.axis_index("c")
    s = lax.axis_index("s")

    zero16 = jnp.zeros((L,), jnp.float32)

    def _zero(i, carry):
        deg_v[pl.ds(i * L, L)] = zero16
        return carry

    lax.fori_loop(0, NPAD // L, _zero, 0)

    pltpu.sync_copy(dst_hbm.at[pl.ds(s * EPT, EPT)], dst_v)

    ones16 = jnp.ones((L,), jnp.float32)

    def _count(i, carry):
        idx = dst_v[pl.ds(i * L, L)]
        plsc.addupdate_scatter(deg_v, [idx], ones16)
        return carry

    lax.fori_loop(0, EPT // L, _count, 0)

    pltpu.sync_copy(deg_v, part_s.at[s])
    plsc.subcore_barrier()

    col = s * CHN
    pltpu.sync_copy(part_s.at[0, pl.ds(col, CHN)], red_v)

    def _accum(j, carry):
        pltpu.sync_copy(part_s.at[j, pl.ds(col, CHN)], tmp_v)

        def _vadd(k, c2):
            red_v[pl.ds(k * L, L)] = red_v[pl.ds(k * L, L)] + tmp_v[pl.ds(k * L, L)]
            return c2

        lax.fori_loop(0, CHN // L, _vadd, 0)
        return carry

    lax.fori_loop(1, NS, _accum, 0)

    def _rs(k, carry):
        d = red_v[pl.ds(k * L, L)] + 1.0
        red_v[pl.ds(k * L, L)] = _rsqrt16(d)
        return carry

    lax.fori_loop(0, CHN // L, _rs, 0)

    @pl.when(c == 0)
    def _():
        pltpu.sync_copy(red_v, dinv_hbm.at[pl.ds(col, CHN)])


@functools.partial(
    pl.kernel,
    out_type=jax.ShapeDtypeStruct((NPAD,), jnp.float32),
    mesh=_MESH,
    compiler_params=_SC_PARAMS,
    scratch_types=[
        pltpu.VMEM((EPT,), jnp.int32),
        pltpu.VMEM((NPAD,), jnp.float32),
        pltpu.VMEM_SHARED((NS, NPAD), jnp.float32),
        pltpu.VMEM((CHN,), jnp.float32),
        pltpu.VMEM((CHN,), jnp.float32),
    ],
)
def _dinv_kernel(dst_hbm, dinv_hbm, dst_v, deg_v, part_s, red_v, tmp_v):
    _dinv_body(dst_hbm, dinv_hbm, dst_v, deg_v, part_s, red_v, tmp_v)



def _agg_body(g_hbm, pk_hbm, t_hbm, acc_s, pk_v, sidx_v, didx_v, rows_v,
              gsem, ssem):
    c = lax.axis_index("c")
    s = lax.axis_index("s")

    r0 = s * RPT
    pltpu.sync_copy(g_hbm.at[pl.ds(c * NPAD + r0, RPT)], acc_s.at[pl.ds(r0, RPT)])

    pltpu.sync_copy(pk_hbm.at[s], pk_v)
    plsc.subcore_barrier()

    coff = c * NPAD
    mask = jnp.int32(0xFFFF)

    def _unpack(j, p):
        base = j * CKE

        def _u(k, carry):
            v = pk_v[pl.ds(base + k * L, L)]
            sidx_v[p, pl.ds(k * L, L)] = lax.bitwise_and(v, mask) + coff
            didx_v[p, pl.ds(k * L, L)] = lax.shift_right_logical(v, jnp.int32(16))
            return carry

        lax.fori_loop(0, CKE // L, _u, 0)

    def _gather(p):
        return pltpu.make_async_copy(
            g_hbm.at[sidx_v.at[p]], rows_v.at[p], gsem)

    def _scatter(p):
        return pltpu.make_async_copy(
            rows_v.at[p], acc_s.at[didx_v.at[p]], ssem)

    _unpack(0, 0)
    _gather(0).start()
    _unpack(1, 1)
    _gather(1).start()
    _gather(0).wait()
    _scatter(0).start(add=True)
    _gather(1).wait()
    _scatter(1).start(add=True)

    def _step(j, carry):
        p = lax.rem(j, NB)
        _scatter(p).wait()
        _unpack(j, p)
        _gather(p).start()
        _gather(p).wait()
        _scatter(p).start(add=True)
        return carry

    lax.fori_loop(NB, NCHK, _step, 0)

    for _ in range(NB):
        _scatter(0).wait()

    plsc.subcore_barrier()
    pltpu.sync_copy(acc_s.at[pl.ds(r0, RPT)], t_hbm.at[pl.ds(c * NPAD + r0, RPT)])


def _make_agg(dtype):
    @functools.partial(
        pl.kernel,
        out_type=jax.ShapeDtypeStruct((NC * NPAD, H), dtype),
        mesh=_MESH,
        compiler_params=_SC_PARAMS,
        scratch_types=[
            pltpu.VMEM_SHARED((NPAD, H), dtype),
            pltpu.VMEM((PKT,), jnp.int32),
            pltpu.VMEM((NB, CKE), jnp.int32),
            pltpu.VMEM((NB, CKE), jnp.int32),
            pltpu.VMEM((NB, CKE, H), dtype),
            pltpu.SemaphoreType.DMA,
            pltpu.SemaphoreType.DMA,
        ],
    )
    def _k(g_hbm, pk_hbm, t_hbm, acc_s, pk_v, sidx_v, didx_v, rows_v,
           gsem, ssem):
        _agg_body(g_hbm, pk_hbm, t_hbm, acc_s, pk_v, sidx_v, didx_v, rows_v,
                  gsem, ssem)

    return _k


_agg_kernel = _make_agg(jnp.float32)



BR = 2000
NBLK = N // BR


def _mm1_body(x_ref, w_ref, dinv_ref, out_ref):
    h = jnp.dot(x_ref[...], w_ref[...], preferred_element_type=jnp.float32)
    g = h * dinv_ref[...]
    out_ref[0] = g[:, :H]
    out_ref[1] = g[:, H:]


def _mm1_call(x, W1, dinv):
    return pl.pallas_call(
        _mm1_body,
        grid=(NBLK,),
        in_specs=[
            pl.BlockSpec((BR, D), lambda i: (i, 0)),
            pl.BlockSpec((D, D), lambda i: (0, 0)),
            pl.BlockSpec((BR, 1), lambda i: (i, 0)),
        ],
        out_specs=pl.BlockSpec((NC, BR, H), lambda i: (0, i, 0)),
        out_shape=jax.ShapeDtypeStruct((NC, NPAD, H), jnp.float32),
    )(x, W1, dinv)


def _mm2_body(t_ref, dinv_ref, b1_ref, w_ref, out_ref):
    d = dinv_ref[...]
    z0 = t_ref[0] * d + b1_ref[0:1, :H]
    z1 = t_ref[1] * d + b1_ref[0:1, H:]
    z0 = jnp.where(z0 >= 0, z0, z0 * 0.01)
    z1 = jnp.where(z1 >= 0, z1, z1 * 0.01)
    h = jnp.dot(z0, w_ref[:H, :], preferred_element_type=jnp.float32)
    h = h + jnp.dot(z1, w_ref[H:, :], preferred_element_type=jnp.float32)
    g = h * d
    out_ref[0] = g[:, :H]
    out_ref[1] = g[:, H:]


def _mm2_call(t1, dinv, b1, W2):
    return pl.pallas_call(
        _mm2_body,
        grid=(NBLK,),
        in_specs=[
            pl.BlockSpec((NC, BR, H), lambda i: (0, i, 0)),
            pl.BlockSpec((BR, 1), lambda i: (i, 0)),
            pl.BlockSpec((1, D), lambda i: (0, 0)),
            pl.BlockSpec((D, D), lambda i: (0, 0)),
        ],
        out_specs=pl.BlockSpec((NC, BR, H), lambda i: (0, i, 0)),
        out_shape=jax.ShapeDtypeStruct((NC, NPAD, H), jnp.float32),
    )(t1, dinv, b1, W2)


def _final_body(t_ref, dinv_ref, b2_ref, out_ref):
    d = dinv_ref[...]
    out_ref[:, :H] = t_ref[0] * d + b2_ref[0:1, :H]
    out_ref[:, H:] = t_ref[1] * d + b2_ref[0:1, H:]


def _final_call(t2, dinv, b2):
    return pl.pallas_call(
        _final_body,
        grid=(NBLK,),
        in_specs=[
            pl.BlockSpec((NC, BR, H), lambda i: (0, i, 0)),
            pl.BlockSpec((BR, 1), lambda i: (i, 0)),
            pl.BlockSpec((1, D), lambda i: (0, 0)),
        ],
        out_specs=pl.BlockSpec((BR, D), lambda i: (i, 0)),
        out_shape=jax.ShapeDtypeStruct((N, D), jnp.float32),
    )(t2, dinv, b2)



def kernel(x, edge_index, W1, b1, W2, b2):
    ei = edge_index.astype(jnp.int32)
    src = ei[0]
    dst = ei[1]
    packed = (dst * 65536 + src).reshape(NS, EPT)

    dinv_pad = _dinv_kernel(dst)
    dinv = dinv_pad[:N].reshape(N, 1)

    g1 = _mm1_call(x, W1, dinv)
    t1 = _agg_kernel(g1.reshape(NC * NPAD, H), packed)
    g2 = _mm2_call(t1.reshape(NC, NPAD, H), dinv, b1.reshape(1, D), W2)
    t2 = _agg_kernel(g2.reshape(NC * NPAD, H), packed)
    return _final_call(t2.reshape(NC, NPAD, H), dinv, b2.reshape(1, D))

# --- scband reference (transcript-rebuilt; emitter-appended) ---
"""Pipeline reference for scband-gcnencoder-89859305767629 (READ-ONLY COPY).

The authoritative reference and input builder live on the scoring server;
editing this copy changes nothing except your own understanding.
"""

import jax, jax.numpy as jnp
import numpy as np

N_NODES = 10000
D_IN = 256
D_OUT = 256
N_EDGES = 160000


def setup_inputs(seed: int = 0) -> dict:
    key = jax.random.key(seed)
    k_x, k_e, k_w1, k_w2 = jax.random.split(key, 4)
    x = jax.random.normal(k_x, (N_NODES, D_IN), dtype=jnp.float32)
    edge_index = jax.random.randint(k_e, (2, N_EDGES), 0, N_NODES, dtype=jnp.int64)
    # Glorot-style init for GCNConv weights
    s1 = float(np.sqrt(6.0 / (D_IN + D_OUT)))
    s2 = float(np.sqrt(6.0 / (D_OUT + D_OUT)))
    W1 = jax.random.uniform(k_w1, (D_IN, D_OUT), minval=-s1, maxval=s1, dtype=jnp.float32)
    b1 = jnp.zeros((D_OUT,), dtype=jnp.float32)
    W2 = jax.random.uniform(k_w2, (D_OUT, D_OUT), minval=-s2, maxval=s2, dtype=jnp.float32)
    b2 = jnp.zeros((D_OUT,), dtype=jnp.float32)
    return {"x": x, "edge_index": edge_index, "W1": W1, "b1": b1, "W2": W2, "b2": b2}


def _gcn_conv(x, W, b, src, dst, n):
    # x' = D^{-1/2} (A + I) D^{-1/2} (x W) + b  (PyG GCNConv semantics)
    h = x @ W
    loop = jnp.arange(n, dtype=src.dtype)
    src2 = jnp.concatenate([src, loop])
    dst2 = jnp.concatenate([dst, loop])
    deg = jnp.zeros((n,), dtype=h.dtype).at[dst2].add(1.0)
    dinv = jnp.where(deg > 0, jax.lax.rsqrt(deg), 0.0)
    norm = dinv[src2] * dinv[dst2]
    msg = jnp.take(h, src2, axis=0) * norm[:, None]
    out = jnp.zeros((n, h.shape[1]), dtype=h.dtype).at[dst2].add(msg)
    return out + b


def reference(x, edge_index, W1, b1, W2, b2):
    n = x.shape[0]
    src = edge_index[0]
    dst = edge_index[1]
    z = _gcn_conv(x, W1, b1, src, dst, n)
    z = jax.nn.leaky_relu(z, negative_slope=0.01)
    z = _gcn_conv(z, W2, b2, src, dst, n)
    return z

if __name__ == "__main__":
    import jax
    _d = setup_inputs()
    print(jax.jit(kernel)(*tuple(_d.values())))

</pallas_src>

<mosaic_0001>
#map = affine_map<(d0, d1) -> (0, 0)>
module attributes {stable_mosaic.version = 14 : i64} {
  func.func @_k(%arg0: i32, %arg1: i32, %arg2: memref<20480x128xf32, #tpu.memory_space<hbm>>, %arg3: memref<16x10000xi32, #tpu.memory_space<hbm>>, %arg4: memref<20480x128xf32, #tpu.memory_space<hbm>>, %arg5: memref<10240x128xf32, #tpu.memory_space<vmem_shared>>, %arg6: memref<10000xi32, #tpu.memory_space<vmem>>, %arg7: memref<2x80xi32, #tpu.memory_space<vmem>>, %arg8: memref<2x80xi32, #tpu.memory_space<vmem>>, %arg9: memref<2x80x128xf32, #tpu.memory_space<vmem>>, %arg10: memref<!tpu.dma_semaphore, #tpu.memory_space<semaphore_mem>>, %arg11: memref<!tpu.dma_semaphore, #tpu.memory_space<semaphore_mem>>) attributes {dimension_semantics = [#tpu.dimension_semantics<core_parallel>, #tpu.dimension_semantics<subcore_parallel>], iteration_bounds = array<i64: 2, 16>, scalar_prefetch = 0 : i64, scratch_operands = 7 : i64, tpu.core_type = #tpu.core_type<sc_vector_subcore>, window_params = [{transform_indices = #map}, {transform_indices = #map}, {transform_indices = #map}]} {
    %mul3A = arith.constant 640 : i32
    %mul3A_0 = arith.muli %arg1, %mul3A : i32
    %mul3A_1 = arith.constant 10240 : i32
    %mul3A_2 = arith.muli %arg0, %mul3A_1 : i32
    %add3A = arith.addi %mul3A_2, %mul3A_0 : i32
    "tpu.region"() ({
      %run_scoped3A = tpu.sem_alloc : memref<!tpu.dma_semaphore, #tpu.memory_space<semaphore_mem>>
      %dma_start3A_123 = arith.constant 0 : i32
      %dma_start3A_124 = tpu.memref_slice %arg5[%mul3A_0, %dma_start3A_123] : memref<10240x128xf32, #tpu.memory_space<vmem_shared>> -> memref<640x128xf32, #tpu.memory_space<vmem_shared>>
      %dma_start3A_125 = arith.constant 0 : i32
      %dma_start3A_126 = tpu.memref_slice %arg2[%add3A, %dma_start3A_125] : memref<20480x128xf32, #tpu.memory_space<hbm>> -> memref<640x128xf32, #tpu.memory_space<hbm>>
      tpu.enqueue_dma source(%dma_start3A_126 : memref<640x128xf32, #tpu.memory_space<hbm>>) target(%dma_start3A_124 : memref<640x128xf32, #tpu.memory_space<vmem_shared>>) target_semaphore(%run_scoped3A : memref<!tpu.dma_semaphore, #tpu.memory_space<semaphore_mem>>)
      %dma_wait3A_127 = arith.constant 0 : i32
      %dma_wait3A_128 = tpu.memref_slice %arg5[%mul3A_0, %dma_wait3A_127] : memref<10240x128xf32, #tpu.memory_space<vmem_shared>> -> memref<640x128xf32, #tpu.memory_space<vmem_shared>>
      %dma_wait3A_129 = arith.constant 0 : i32
      %dma_wait3A_130 = tpu.memref_slice %arg2[%add3A, %dma_wait3A_129] : memref<20480x128xf32, #tpu.memory_space<hbm>> -> memref<640x128xf32, #tpu.memory_space<hbm>>
      tpu.wait_dma2 semaphore(%run_scoped3A : memref<!tpu.dma_semaphore, #tpu.memory_space<semaphore_mem>>) src(%dma_wait3A_130 : memref<640x128xf32, #tpu.memory_space<hbm>>) dst(%dma_wait3A_128 : memref<640x128xf32, #tpu.memory_space<vmem_shared>>)
      tpu.yield
    }) : () -> ()
    "tpu.region"() ({
      %run_scoped3A = tpu.sem_alloc : memref<!tpu.dma_semaphore, #tpu.memory_space<semaphore_mem>>
      %dma_start3A_123 = arith.constant 0 : i32
      %dma_start3A_124 = tpu.memref_slice %arg3[%arg1, %dma_start3A_123] : memref<16x10000xi32, #tpu.memory_space<hbm>> -> memref<1x10000xi32, #tpu.memory_space<hbm>>
      %dma_start3A_125 = tpu.memref_squeeze %dma_start3A_124 : memref<1x10000xi32, #tpu.memory_space<hbm>> -> memref<10000xi32, #tpu.memory_space<hbm>>
      %dma_start3A_126 = arith.constant 0 : i32
      %dma_start3A_127 = tpu.memref_slice %arg3[%arg1, %dma_start3A_126] : memref<16x10000xi32, #tpu.memory_space<hbm>> -> memref<1x10000xi32, #tpu.memory_space<hbm>>
      %dma_start3A_128 = tpu.memref_squeeze %dma_start3A_127 : memref<1x10000xi32, #tpu.memory_space<hbm>> -> memref<10000xi32, #tpu.memory_space<hbm>>
      tpu.enqueue_dma source(%dma_start3A_128 : memref<10000xi32, #tpu.memory_space<hbm>>) target(%arg6 : memref<10000xi32, #tpu.memory_space<vmem>>) target_semaphore(%run_scoped3A : memref<!tpu.dma_semaphore, #tpu.memory_space<semaphore_mem>>)
      %dma_wait3A_129 = arith.constant 0 : i32
      %dma_wait3A_130 = tpu.memref_slice %arg3[%arg1, %dma_wait3A_129] : memref<16x10000xi32, #tpu.memory_space<hbm>> -> memref<1x10000xi32, #tpu.memory_space<hbm>>
      %dma_wait3A_131 = tpu.memref_squeeze %dma_wait3A_130 : memref<1x10000xi32, #tpu.memory_space<hbm>> -> memref<10000xi32, #tpu.memory_space<hbm>>
      %dma_wait3A_132 = arith.constant 0 : i32
      %dma_wait3A_133 = tpu.memref_slice %arg3[%arg1, %dma_wait3A_132] : memref<16x10000xi32, #tpu.memory_space<hbm>> -> memref<1x10000xi32, #tpu.memory_space<hbm>>
      %dma_wait3A_134 = tpu.memref_squeeze %dma_wait3A_133 : memref<1x10000xi32, #tpu.memory_space<hbm>> -> memref<10000xi32, #tpu.memory_space<hbm>>
      tpu.wait_dma2 semaphore(%run_scoped3A : memref<!tpu.dma_semaphore, #tpu.memory_space<semaphore_mem>>) src(%dma_wait3A_134 : memref<10000xi32, #tpu.memory_space<hbm>>) dst(%arg6 : memref<10000xi32, #tpu.memory_space<vmem>>)
      tpu.yield
    }) : () -> ()
    %barrier3A = arith.constant 0 : index
    tpu.barrier barrier_id(%barrier3A)
    %mul3A_3 = arith.constant 10240 : i32
    %mul3A_4 = arith.muli %arg0, %mul3A_3 : i32
    %scan3A = arith.constant 0 : i32
    %scan3A_5 = arith.constant 65535 : i32
    %scan3A_6 = arith.constant 0 : i32
    %scan3A_7 = arith.constant 5 : i32
    %scan3A_8 = arith.addi %scan3A_6, %scan3A_7 : i32
    %scan3A_9 = arith.constant 1 : i32
    scf.for %scan3A_123 = %scan3A_6 to %scan3A_8 step %scan3A_9  : i32 {
      %mul3A_124 = arith.constant 16 : i32
      %mul3A_125 = arith.muli %scan3A_123, %mul3A_124 : i32
      %add3A_126 = arith.constant 0 : i32
      %add3A_127 = arith.addi %add3A_126, %mul3A_125 : i32
      %get3A = arith.index_cast %add3A_127 : i32 to index
      %get3A_128 = tpu.vector_load %arg6[%get3A] {strides = array<i32>} : memref<10000xi32, #tpu.memory_space<vmem>>, vector<16xi32>,
      %and3A = vector.broadcast %scan3A_5 : i32 to vector<16xi32>
      %and3A_129 = arith.andi %get3A_128, %and3A : vector<16xi32>
      %add3A_130 = vector.broadcast %mul3A_4 : i32 to vector<16xi32>
      %add3A_131 = arith.addi %and3A_129, %add3A_130 : vector<16xi32>
      %mul3A_132 = arith.constant 16 : i32
      %mul3A_133 = arith.muli %scan3A_123, %mul3A_132 : i32
      %swap3A = arith.constant 0 : i32
      %swap3A_134 = arith.index_cast %swap3A : i32 to index
      %swap3A_135 = arith.index_cast %mul3A_133 : i32 to index
      %swap3A_136 = tpu.vector_load %arg7[%swap3A_134, %swap3A_135] {strides = array<i32>} : memref<2x80xi32, #tpu.memory_space<vmem>>, vector<16xi32>,
      tpu.vector_store %arg7[%swap3A_134, %swap3A_135], %add3A_131 {strides = array<i32>} : memref<2x80xi32, #tpu.memory_space<vmem>>, vector<16xi32>,
      %shift_right_logical3A = arith.constant 16 : i32
      %shift_right_logical3A_137 = vector.broadcast %shift_right_logical3A : i32 to vector<16xi32>
      %shift_right_logical3A_138 = arith.shrui %get3A_128, %shift_right_logical3A_137 : vector<16xi32>
      %mul3A_139 = arith.constant 16 : i32
      %mul3A_140 = arith.muli %scan3A_123, %mul3A_139 : i32
      %swap3A_141 = arith.constant 0 : i32
      %swap3A_142 = arith.index_cast %swap3A_141 : i32 to index
      %swap3A_143 = arith.index_cast %mul3A_140 : i32 to index
      %swap3A_144 = tpu.vector_load %arg8[%swap3A_142, %swap3A_143] {strides = array<i32>} : memref<2x80xi32, #tpu.memory_space<vmem>>, vector<16xi32>,
      tpu.vector_store %arg8[%swap3A_142, %swap3A_143], %shift_right_logical3A_138 {strides = array<i32>} : memref<2x80xi32, #tpu.memory_space<vmem>>, vector<16xi32>,
    }
    %scan3A_10 = arith.constant 5 : i32
    %dma_start3A = arith.constant 0 : i32
    %dma_start3A_11 = arith.constant 0 : i32
    %dma_start3A_12 = arith.constant 0 : i32
    %dma_start3A_13 = arith.constant 0 : i32
    %dma_start3A_14 = tpu.memref_slice %arg9[%dma_start3A_11, %dma_start3A_12, %dma_start3A_13] : memref<2x80x128xf32, #tpu.memory_space<vmem>> -> memref<1x80x128xf32, #tpu.memory_space<vmem>>
    %dma_start3A_15 = tpu.memref_squeeze %dma_start3A_14 : memref<1x80x128xf32, #tpu.memory_space<vmem>> -> memref<80x128xf32, #tpu.memory_space<vmem>>
    %dma_start3A_16 = arith.constant 0 : i32
    %dma_start3A_17 = tpu.memref_slice %arg7[%dma_start3A, %dma_start3A_16] : memref<2x80xi32, #tpu.memory_space<vmem>> -> memref<1x80xi32, #tpu.memory_space<vmem>>
    %dma_start3A_18 = tpu.memref_squeeze %dma_start3A_17 : memref<1x80xi32, #tpu.memory_space<vmem>> -> memref<80xi32, #tpu.memory_space<vmem>>
    %dma_start3A_19 = arith.constant 0 : i32
    %dma_start3A_20 = arith.constant 0 : i32
    %dma_start3A_21 = tpu.memref_slice %arg2[%dma_start3A_19, %dma_start3A_20] : memref<20480x128xf32, #tpu.memory_space<hbm>> -> memref<20480x128xf32, #tpu.memory_space<hbm>>
    tpu.enqueue_indirect_dma source(%dma_start3A_21 : memref<20480x128xf32, #tpu.memory_space<hbm>>) target(%dma_start3A_15 : memref<80x128xf32, #tpu.memory_space<vmem>>) offsets(%dma_start3A_18 : memref<80xi32, #tpu.memory_space<vmem>>) semaphore(%arg10 : memref<!tpu.dma_semaphore, #tpu.memory_space<semaphore_mem>>)
    %scan3A_22 = arith.constant 0 : i32
    %scan3A_23 = arith.constant 65535 : i32
    %scan3A_24 = arith.constant 0 : i32
    %scan3A_25 = arith.constant 5 : i32
    %scan3A_26 = arith.addi %scan3A_24, %scan3A_25 : i32
    %scan3A_27 = arith.constant 1 : i32
    scf.for %scan3A_123 = %scan3A_24 to %scan3A_26 step %scan3A_27  : i32 {
      %mul3A_124 = arith.constant 16 : i32
      %mul3A_125 = arith.muli %scan3A_123, %mul3A_124 : i32
      %add3A_126 = arith.constant 80 : i32
      %add3A_127 = arith.addi %add3A_126, %mul3A_125 : i32
      %get3A = arith.index_cast %add3A_127 : i32 to index
      %get3A_128 = tpu.vector_load %arg6[%get3A] {strides = array<i32>} : memref<10000xi32, #tpu.memory_space<vmem>>, vector<16xi32>,
      %and3A = vector.broadcast %scan3A_23 : i32 to vector<16xi32>
      %and3A_129 = arith.andi %get3A_128, %and3A : vector<16xi32>
      %add3A_130 = vector.broadcast %mul3A_4 : i32 to vector<16xi32>
      %add3A_131 = arith.addi %and3A_129, %add3A_130 : vector<16xi32>
      %mul3A_132 = arith.constant 16 : i32
      %mul3A_133 = arith.muli %scan3A_123, %mul3A_132 : i32
      %swap3A = arith.constant 1 : i32
      %swap3A_134 = arith.index_cast %swap3A : i32 to index
      %swap3A_135 = arith.index_cast %mul3A_133 : i32 to index
      %swap3A_136 = tpu.vector_load %arg7[%swap3A_134, %swap3A_135] {strides = array<i32>} : memref<2x80xi32, #tpu.memory_space<vmem>>, vector<16xi32>,
      tpu.vector_store %arg7[%swap3A_134, %swap3A_135], %add3A_131 {strides = array<i32>} : memref<2x80xi32, #tpu.memory_space<vmem>>, vector<16xi32>,
      %shift_right_logical3A = arith.constant 16 : i32
      %shift_right_logical3A_137 = vector.broadcast %shift_right_logical3A : i32 to vector<16xi32>
      %shift_right_logical3A_138 = arith.shrui %get3A_128, %shift_right_logical3A_137 : vector<16xi32>
      %mul3A_139 = arith.constant 16 : i32
      %mul3A_140 = arith.muli %scan3A_123, %mul3A_139 : i32
      %swap3A_141 = arith.constant 1 : i32
      %swap3A_142 = arith.index_cast %swap3A_141 : i32 to index
      %swap3A_143 = arith.index_cast %mul3A_140 : i32 to index
      %swap3A_144 = tpu.vector_load %arg8[%swap3A_142, %swap3A_143] {strides = array<i32>} : memref<2x80xi32, #tpu.memory_space<vmem>>, vector<16xi32>,
      tpu.vector_store %arg8[%swap3A_142, %swap3A_143], %shift_right_logical3A_138 {strides = array<i32>} : memref<2x80xi32, #tpu.memory_space<vmem>>, vector<16xi32>,
    }
    %scan3A_28 = arith.constant 5 : i32
    %dma_start3A_29 = arith.constant 1 : i32
    %dma_start3A_30 = arith.constant 1 : i32
    %dma_start3A_31 = arith.constant 0 : i32
    %dma_start3A_32 = arith.constant 0 : i32
    %dma_start3A_33 = tpu.memref_slice %arg9[%dma_start3A_30, %dma_start3A_31, %dma_start3A_32] : memref<2x80x128xf32, #tpu.memory_space<vmem>> -> memref<1x80x128xf32, #tpu.memory_space<vmem>>
    %dma_start3A_34 = tpu.memref_squeeze %dma_start3A_33 : memref<1x80x128xf32, #tpu.memory_space<vmem>> -> memref<80x128xf32, #tpu.memory_space<vmem>>
    %dma_start3A_35 = arith.constant 0 : i32
    %dma_start3A_36 = tpu.memref_slice %arg7[%dma_start3A_29, %dma_start3A_35] : memref<2x80xi32, #tpu.memory_space<vmem>> -> memref<1x80xi32, #tpu.memory_space<vmem>>
    %dma_start3A_37 = tpu.memref_squeeze %dma_start3A_36 : memref<1x80xi32, #tpu.memory_space<vmem>> -> memref<80xi32, #tpu.memory_space<vmem>>
    %dma_start3A_38 = arith.constant 0 : i32
    %dma_start3A_39 = arith.constant 0 : i32
    %dma_start3A_40 = tpu.memref_slice %arg2[%dma_start3A_38, %dma_start3A_39] : memref<20480x128xf32, #tpu.memory_space<hbm>> -> memref<20480x128xf32, #tpu.memory_space<hbm>>
    tpu.enqueue_indirect_dma source(%dma_start3A_40 : memref<20480x128xf32, #tpu.memory_space<hbm>>) target(%dma_start3A_34 : memref<80x128xf32, #tpu.memory_space<vmem>>) offsets(%dma_start3A_37 : memref<80xi32, #tpu.memory_space<vmem>>) semaphore(%arg10 : memref<!tpu.dma_semaphore, #tpu.memory_space<semaphore_mem>>)
    %dma_wait3A = arith.constant 0 : i32
    %dma_wait3A_41 = arith.constant 0 : i32
    %dma_wait3A_42 = arith.constant 0 : i32
    %dma_wait3A_43 = arith.constant 0 : i32
    %dma_wait3A_44 = tpu.memref_slice %arg9[%dma_wait3A_41, %dma_wait3A_42, %dma_wait3A_43] : memref<2x80x128xf32, #tpu.memory_space<vmem>> -> memref<1x80x128xf32, #tpu.memory_space<vmem>>
    %dma_wait3A_45 = tpu.memref_squeeze %dma_wait3A_44 : memref<1x80x128xf32, #tpu.memory_space<vmem>> -> memref<80x128xf32, #tpu.memory_space<vmem>>
    %dma_wait3A_46 = arith.constant 0 : i32
    %dma_wait3A_47 = tpu.memref_slice %arg7[%dma_wait3A, %dma_wait3A_46] : memref<2x80xi32, #tpu.memory_space<vmem>> -> memref<1x80xi32, #tpu.memory_space<vmem>>
    %dma_wait3A_48 = tpu.memref_squeeze %dma_wait3A_47 : memref<1x80xi32, #tpu.memory_space<vmem>> -> memref<80xi32, #tpu.memory_space<vmem>>
    %dma_wait3A_49 = arith.constant 0 : i32
    %dma_wait3A_50 = arith.constant 0 : i32
    %dma_wait3A_51 = tpu.memref_slice %arg2[%dma_wait3A_49, %dma_wait3A_50] : memref<20480x128xf32, #tpu.memory_space<hbm>> -> memref<20480x128xf32, #tpu.memory_space<hbm>>
    tpu.wait_indirect_dma semaphore(%arg10 : memref<!tpu.dma_semaphore, #tpu.memory_space<semaphore_mem>>) src(%dma_wait3A_51 : memref<20480x128xf32, #tpu.memory_space<hbm>>) dst(%dma_wait3A_45 : memref<80x128xf32, #tpu.memory_space<vmem>>)
    %dma_start3A_52 = arith.constant 0 : i32
    %dma_start3A_53 = arith.constant 0 : i32
    %dma_start3A_54 = arith.constant 0 : i32
    %dma_start3A_55 = arith.constant 0 : i32
    %dma_start3A_56 = tpu.memref_slice %arg9[%dma_start3A_52, %dma_start3A_54, %dma_start3A_55] : memref<2x80x128xf32, #tpu.memory_space<vmem>> -> memref<1x80x128xf32, #tpu.memory_space<vmem>>
    %dma_start3A_57 = tpu.memref_squeeze %dma_start3A_56 : memref<1x80x128xf32, #tpu.memory_space<vmem>> -> memref<80x128xf32, #tpu.memory_space<vmem>>
    %dma_start3A_58 = arith.constant 0 : i32
    %dma_start3A_59 = tpu.memref_slice %arg8[%dma_start3A_53, %dma_start3A_58] : memref<2x80xi32, #tpu.memory_space<vmem>> -> memref<1x80xi32, #tpu.memory_space<vmem>>
    %dma_start3A_60 = tpu.memref_squeeze %dma_start3A_59 : memref<1x80xi32, #tpu.memory_space<vmem>> -> memref<80xi32, #tpu.memory_space<vmem>>
    %dma_start3A_61 = arith.constant 0 : i32
    %dma_start3A_62 = arith.constant 0 : i32
    %dma_start3A_63 = tpu.memref_slice %arg5[%dma_start3A_61, %dma_start3A_62] : memref<10240x128xf32, #tpu.memory_space<vmem_shared>> -> memref<10240x128xf32, #tpu.memory_space<vmem_shared>>
    tpu.enqueue_indirect_dma source(%dma_start3A_57 : memref<80x128xf32, #tpu.memory_space<vmem>>) target(%dma_start3A_63 : memref<10240x128xf32, #tpu.memory_space<vmem_shared>>) offsets(%dma_start3A_60 : memref<80xi32, #tpu.memory_space<vmem>>) semaphore(%arg11 : memref<!tpu.dma_semaphore, #tpu.memory_space<semaphore_mem>>) {add = true}
    %dma_wait3A_64 = arith.constant 1 : i32
    %dma_wait3A_65 = arith.constant 1 : i32
    %dma_wait3A_66 = arith.constant 0 : i32
    %dma_wait3A_67 = arith.constant 0 : i32
    %dma_wait3A_68 = tpu.memref_slice %arg9[%dma_wait3A_65, %dma_wait3A_66, %dma_wait3A_67] : memref<2x80x128xf32, #tpu.memory_space<vmem>> -> memref<1x80x128xf32, #tpu.memory_space<vmem>>
    %dma_wait3A_69 = tpu.memref_squeeze %dma_wait3A_68 : memref<1x80x128xf32, #tpu.memory_space<vmem>> -> memref<80x128xf32, #tpu.memory_space<vmem>>
    %dma_wait3A_70 = arith.constant 0 : i32
    %dma_wait3A_71 = tpu.memref_slice %arg7[%dma_wait3A_64, %dma_wait3A_70] : memref<2x80xi32, #tpu.memory_space<vmem>> -> memref<1x80xi32, #tpu.memory_space<vmem>>
    %dma_wait3A_72 = tpu.memref_squeeze %dma_wait3A_71 : memref<1x80xi32, #tpu.memory_space<vmem>> -> memref<80xi32, #tpu.memory_space<vmem>>
    %dma_wait3A_73 = arith.constant 0 : i32
    %dma_wait3A_74 = arith.constant 0 : i32
    %dma_wait3A_75 = tpu.memref_slice %arg2[%dma_wait3A_73, %dma_wait3A_74] : memref<20480x128xf32, #tpu.memory_space<hbm>> -> memref<20480x128xf32, #tpu.memory_space<hbm>>
    tpu.wait_indirect_dma semaphore(%arg10 : memref<!tpu.dma_semaphore, #tpu.memory_space<semaphore_mem>>) src(%dma_wait3A_75 : memref<20480x128xf32, #tpu.memory_space<hbm>>) dst(%dma_wait3A_69 : memref<80x128xf32, #tpu.memory_space<vmem>>)
    %dma_start3A_76 = arith.constant 1 : i32
    %dma_start3A_77 = arith.constant 1 : i32
    %dma_start3A_78 = arith.constant 0 : i32
    %dma_start3A_79 = arith.constant 0 : i32
    %dma_start3A_80 = tpu.memref_slice %arg9[%dma_start3A_76, %dma_start3A_78, %dma_start3A_79] : memref<2x80x128xf32, #tpu.memory_space<vmem>> -> memref<1x80x128xf32, #tpu.memory_space<vmem>>
    %dma_start3A_81 = tpu.memref_squeeze %dma_start3A_80 : memref<1x80x128xf32, #tpu.memory_space<vmem>> -> memref<80x128xf32, #tpu.memory_space<vmem>>
    %dma_start3A_82 = arith.constant 0 : i32
    %dma_start3A_83 = tpu.memref_slice %arg8[%dma_start3A_77, %dma_start3A_82] : memref<2x80xi32, #tpu.memory_space<vmem>> -> memref<1x80xi32, #tpu.memory_space<vmem>>
    %dma_start3A_84 = tpu.memref_squeeze %dma_start3A_83 : memref<1x80xi32, #tpu.memory_space<vmem>> -> memref<80xi32, #tpu.memory_space<vmem>>
    %dma_start3A_85 = arith.constant 0 : i32
    %dma_start3A_86 = arith.constant 0 : i32
    %dma_start3A_87 = tpu.memref_slice %arg5[%dma_start3A_85, %dma_start3A_86] : memref<10240x128xf32, #tpu.memory_space<vmem_shared>> -> memref<10240x128xf32, #tpu.memory_space<vmem_shared>>
    tpu.enqueue_indirect_dma source(%dma_start3A_81 : memref<80x128xf32, #tpu.memory_space<vmem>>) target(%dma_start3A_87 : memref<10240x128xf32, #tpu.memory_space<vmem_shared>>) offsets(%dma_start3A_84 : memref<80xi32, #tpu.memory_space<vmem>>) semaphore(%arg11 : memref<!tpu.dma_semaphore, #tpu.memory_space<semaphore_mem>>) {add = true}
    %scan3A_88 = arith.constant 0 : i32
    %scan3A_89 = arith.constant 65535 : i32
    %scan3A_90 = arith.constant 2 : i32
    %scan3A_91 = arith.constant 123 : i32
    %scan3A_92 = arith.addi %scan3A_90, %scan3A_91 : i32
    %scan3A_93 = arith.constant 1 : i32
    scf.for %scan3A_123 = %scan3A_90 to %scan3A_92 step %scan3A_93  : i32 {
      %rem3A = arith.constant 2 : i32
      %rem3A_124 = arith.remsi %scan3A_123, %rem3A : i32
      %dma_wait3A_125 = arith.constant 0 : i32
      %dma_wait3A_126 = arith.constant 0 : i32
      %dma_wait3A_127 = tpu.memref_slice %arg9[%rem3A_124, %dma_wait3A_125, %dma_wait3A_126] : memref<2x80x128xf32, #tpu.memory_space<vmem>> -> memref<1x80x128xf32, #tpu.memory_space<vmem>>
      %dma_wait3A_128 = tpu.memref_squeeze %dma_wait3A_127 : memref<1x80x128xf32, #tpu.memory_space<vmem>> -> memref<80x128xf32, #tpu.memory_space<vmem>>
      %dma_wait3A_129 = arith.constant 0 : i32
      %dma_wait3A_130 = tpu.memref_slice %arg8[%rem3A_124, %dma_wait3A_129] : memref<2x80xi32, #tpu.memory_space<vmem>> -> memref<1x80xi32, #tpu.memory_space<vmem>>
      %dma_wait3A_131 = tpu.memref_squeeze %dma_wait3A_130 : memref<1x80xi32, #tpu.memory_space<vmem>> -> memref<80xi32, #tpu.memory_space<vmem>>
      %dma_wait3A_132 = arith.constant 0 : i32
      %dma_wait3A_133 = arith.constant 0 : i32
      %dma_wait3A_134 = tpu.memref_slice %arg5[%dma_wait3A_132, %dma_wait3A_133] : memref<10240x128xf32, #tpu.memory_space<vmem_shared>> -> memref<10240x128xf32, #tpu.memory_space<vmem_shared>>
      tpu.wait_indirect_dma semaphore(%arg11 : memref<!tpu.dma_semaphore, #tpu.memory_space<semaphore_mem>>) src(%dma_wait3A_128 : memref<80x128xf32, #tpu.memory_space<vmem>>) dst(%dma_wait3A_134 : memref<10240x128xf32, #tpu.memory_space<vmem_shared>>)
      %mul3A_135 = arith.constant 80 : i32
      %mul3A_136 = arith.muli %scan3A_123, %mul3A_135 : i32
      %scan3A_137 = arith.constant 0 : i32
      %scan3A_138 = arith.constant 0 : i32
      %scan3A_139 = arith.constant 5 : i32
      %scan3A_140 = arith.addi %scan3A_138, %scan3A_139 : i32
      %scan3A_141 = arith.constant 1 : i32
      scf.for %scan3A_173 = %scan3A_138 to %scan3A_140 step %scan3A_141  : i32 {
        %mul3A_174 = arith.constant 16 : i32
        %mul3A_175 = arith.muli %scan3A_173, %mul3A_174 : i32
        %add3A_176 = arith.addi %mul3A_136, %mul3A_175 : i32
        %get3A = arith.index_cast %add3A_176 : i32 to index
        %get3A_177 = tpu.vector_load %arg6[%get3A] {strides = array<i32>} : memref<10000xi32, #tpu.memory_space<vmem>>, vector<16xi32>,
        %and3A = vector.broadcast %scan3A_89 : i32 to vector<16xi32>
        %and3A_178 = arith.andi %get3A_177, %and3A : vector<16xi32>
        %add3A_179 = vector.broadcast %mul3A_4 : i32 to vector<16xi32>
        %add3A_180 = arith.addi %and3A_178, %add3A_179 : vector<16xi32>
        %mul3A_181 = arith.constant 16 : i32
        %mul3A_182 = arith.muli %scan3A_173, %mul3A_181 : i32
        %swap3A = arith.index_cast %rem3A_124 : i32 to index
        %swap3A_183 = arith.index_cast %mul3A_182 : i32 to index
        %swap3A_184 = tpu.vector_load %arg7[%swap3A, %swap3A_183] {strides = array<i32>} : memref<2x80xi32, #tpu.memory_space<vmem>>, vector<16xi32>,
        tpu.vector_store %arg7[%swap3A, %swap3A_183], %add3A_180 {strides = array<i32>} : memref<2x80xi32, #tpu.memory_space<vmem>>, vector<16xi32>,
        %shift_right_logical3A = arith.constant 16 : i32
        %shift_right_logical3A_185 = vector.broadcast %shift_right_logical3A : i32 to vector<16xi32>
        %shift_right_logical3A_186 = arith.shrui %get3A_177, %shift_right_logical3A_185 : vector<16xi32>
        %mul3A_187 = arith.constant 16 : i32
        %mul3A_188 = arith.muli %scan3A_173, %mul3A_187 : i32
        %swap3A_189 = arith.index_cast %rem3A_124 : i32 to index
        %swap3A_190 = arith.index_cast %mul3A_188 : i32 to index
        %swap3A_191 = tpu.vector_load %arg8[%swap3A_189, %swap3A_190] {strides = array<i32>} : memref<2x80xi32, #tpu.memory_space<vmem>>, vector<16xi32>,
        tpu.vector_store %arg8[%swap3A_189, %swap3A_190], %shift_right_logical3A_186 {strides = array<i32>} : memref<2x80xi32, #tpu.memory_space<vmem>>, vector<16xi32>,
      }
      %scan3A_142 = arith.constant 5 : i32
      %dma_start3A_143 = arith.constant 0 : i32
      %dma_start3A_144 = arith.constant 0 : i32
      %dma_start3A_145 = tpu.memref_slice %arg9[%rem3A_124, %dma_start3A_143, %dma_start3A_144] : memref<2x80x128xf32, #tpu.memory_space<vmem>> -> memref<1x80x128xf32, #tpu.memory_space<vmem>>
      %dma_start3A_146 = tpu.memref_squeeze %dma_start3A_145 : memref<1x80x128xf32, #tpu.memory_space<vmem>> -> memref<80x128xf32, #tpu.memory_space<vmem>>
      %dma_start3A_147 = arith.constant 0 : i32
      %dma_start3A_148 = tpu.memref_slice %arg7[%rem3A_124, %dma_start3A_147] : memref<2x80xi32, #tpu.memory_space<vmem>> -> memref<1x80xi32, #tpu.memory_space<vmem>>
      %dma_start3A_149 = tpu.memref_squeeze %dma_start3A_148 : memref<1x80xi32, #tpu.memory_space<vmem>> -> memref<80xi32, #tpu.memory_space<vmem>>
      %dma_start3A_150 = arith.constant 0 : i32
      %dma_start3A_151 = arith.constant 0 : i32
      %dma_start3A_152 = tpu.memref_slice %arg2[%dma_start3A_150, %dma_start3A_151] : memref<20480x128xf32, #tpu.memory_space<hbm>> -> memref<20480x128xf32, #tpu.memory_space<hbm>>
      tpu.enqueue_indirect_dma source(%dma_start3A_152 : memref<20480x128xf32, #tpu.memory_space<hbm>>) target(%dma_start3A_146 : memref<80x128xf32, #tpu.memory_space<vmem>>) offsets(%dma_start3A_149 : memref<80xi32, #tpu.memory_space<vmem>>) semaphore(%arg10 : memref<!tpu.dma_semaphore, #tpu.memory_space<semaphore_mem>>)
      %dma_wait3A_153 = arith.constant 0 : i32
      %dma_wait3A_154 = arith.constant 0 : i32
      %dma_wait3A_155 = tpu.memref_slice %arg9[%rem3A_124, %dma_wait3A_153, %dma_wait3A_154] : memref<2x80x128xf32, #tpu.memory_space<vmem>> -> memref<1x80x128xf32, #tpu.memory_space<vmem>>
      %dma_wait3A_156 = tpu.memref_squeeze %dma_wait3A_155 : memref<1x80x128xf32, #tpu.memory_space<vmem>> -> memref<80x128xf32, #tpu.memory_space<vmem>>
      %dma_wait3A_157 = arith.constant 0 : i32
      %dma_wait3A_158 = tpu.memref_slice %arg7[%rem3A_124, %dma_wait3A_157] : memref<2x80xi32, #tpu.memory_space<vmem>> -> memref<1x80xi32, #tpu.memory_space<vmem>>
      %dma_wait3A_159 = tpu.memref_squeeze %dma_wait3A_158 : memref<1x80xi32, #tpu.memory_space<vmem>> -> memref<80xi32, #tpu.memory_space<vmem>>
      %dma_wait3A_160 = arith.constant 0 : i32
      %dma_wait3A_161 = arith.constant 0 : i32
      %dma_wait3A_162 = tpu.memref_slice %arg2[%dma_wait3A_160, %dma_wait3A_161] : memref<20480x128xf32, #tpu.memory_space<hbm>> -> memref<20480x128xf32, #tpu.memory_space<hbm>>
      tpu.wait_indirect_dma semaphore(%arg10 : memref<!tpu.dma_semaphore, #tpu.memory_space<semaphore_mem>>) src(%dma_wait3A_162 : memref<20480x128xf32, #tpu.memory_space<hbm>>) dst(%dma_wait3A_156 : memref<80x128xf32, #tpu.memory_space<vmem>>)
      %dma_start3A_163 = arith.constant 0 : i32
      %dma_start3A_164 = arith.constant 0 : i32
      %dma_start3A_165 = tpu.memref_slice %arg9[%rem3A_124, %dma_start3A_163, %dma_start3A_164] : memref<2x80x128xf32, #tpu.memory_space<vmem>> -> memref<1x80x128xf32, #tpu.memory_space<vmem>>
      %dma_start3A_166 = tpu.memref_squeeze %dma_start3A_165 : memref<1x80x128xf32, #tpu.memory_space<vmem>> -> memref<80x128xf32, #tpu.memory_space<vmem>>
      %dma_start3A_167 = arith.constant 0 : i32
      %dma_start3A_168 = tpu.memref_slice %arg8[%rem3A_124, %dma_start3A_167] : memref<2x80xi32, #tpu.memory_space<vmem>> -> memref<1x80xi32, #tpu.memory_space<vmem>>
      %dma_start3A_169 = tpu.memref_squeeze %dma_start3A_168 : memref<1x80xi32, #tpu.memory_space<vmem>> -> memref<80xi32, #tpu.memory_space<vmem>>
      %dma_start3A_170 = arith.constant 0 : i32
      %dma_start3A_171 = arith.constant 0 : i32
      %dma_start3A_172 = tpu.memref_slice %arg5[%dma_start3A_170, %dma_start3A_171] : memref<10240x128xf32, #tpu.memory_space<vmem_shared>> -> memref<10240x128xf32, #tpu.memory_space<vmem_shared>>
      tpu.enqueue_indirect_dma source(%dma_start3A_166 : memref<80x128xf32, #tpu.memory_space<vmem>>) target(%dma_start3A_172 : memref<10240x128xf32, #tpu.memory_space<vmem_shared>>) offsets(%dma_start3A_169 : memref<80xi32, #tpu.memory_space<vmem>>) semaphore(%arg11 : memref<!tpu.dma_semaphore, #tpu.memory_space<semaphore_mem>>) {add = true}
    }
    %scan3A_94 = arith.constant 123 : i32
    %dma_wait3A_95 = arith.constant 0 : i32
    %dma_wait3A_96 = arith.constant 0 : i32
    %dma_wait3A_97 = arith.constant 0 : i32
    %dma_wait3A_98 = arith.constant 0 : i32
    %dma_wait3A_99 = tpu.memref_slice %arg9[%dma_wait3A_95, %dma_wait3A_97, %dma_wait3A_98] : memref<2x80x128xf32, #tpu.memory_space<vmem>> -> memref<1x80x128xf32, #tpu.memory_space<vmem>>
    %dma_wait3A_100 = tpu.memref_squeeze %dma_wait3A_99 : memref<1x80x128xf32, #tpu.memory_space<vmem>> -> memref<80x128xf32, #tpu.memory_space<vmem>>
    %dma_wait3A_101 = arith.constant 0 : i32
    %dma_wait3A_102 = tpu.memref_slice %arg8[%dma_wait3A_96, %dma_wait3A_101] : memref<2x80xi32, #tpu.memory_space<vmem>> -> memref<1x80xi32, #tpu.memory_space<vmem>>
    %dma_wait3A_103 = tpu.memref_squeeze %dma_wait3A_102 : memref<1x80xi32, #tpu.memory_space<vmem>> -> memref<80xi32, #tpu.memory_space<vmem>>
    %dma_wait3A_104 = arith.constant 0 : i32
    %dma_wait3A_105 = arith.constant 0 : i32
    %dma_wait3A_106 = tpu.memref_slice %arg5[%dma_wait3A_104, %dma_wait3A_105] : memref<10240x128xf32, #tpu.memory_space<vmem_shared>> -> memref<10240x128xf32, #tpu.memory_space<vmem_shared>>
    tpu.wait_indirect_dma semaphore(%arg11 : memref<!tpu.dma_semaphore, #tpu.memory_space<semaphore_mem>>) src(%dma_wait3A_100 : memref<80x128xf32, #tpu.memory_space<vmem>>) dst(%dma_wait3A_106 : memref<10240x128xf32, #tpu.memory_space<vmem_shared>>)
    %dma_wait3A_107 = arith.constant 0 : i32
    %dma_wait3A_108 = arith.constant 0 : i32
    %dma_wait3A_109 = arith.constant 0 : i32
    %dma_wait3A_110 = arith.constant 0 : i32
    %dma_wait3A_111 = tpu.memref_slice %arg9[%dma_wait3A_107, %dma_wait3A_109, %dma_wait3A_110] : memref<2x80x128xf32, #tpu.memory_space<vmem>> -> memref<1x80x128xf32, #tpu.memory_space<vmem>>
    %dma_wait3A_112 = tpu.memref_squeeze %dma_wait3A_111 : memref<1x80x128xf32, #tpu.memory_space<vmem>> -> memref<80x128xf32, #tpu.memory_space<vmem>>
    %dma_wait3A_113 = arith.constant 0 : i32
    %dma_wait3A_114 = tpu.memref_slice %arg8[%dma_wait3A_108, %dma_wait3A_113] : memref<2x80xi32, #tpu.memory_space<vmem>> -> memref<1x80xi32, #tpu.memory_space<vmem>>
    %dma_wait3A_115 = tpu.memref_squeeze %dma_wait3A_114 : memref<1x80xi32, #tpu.memory_space<vmem>> -> memref<80xi32, #tpu.memory_space<vmem>>
    %dma_wait3A_116 = arith.constant 0 : i32
    %dma_wait3A_117 = arith.constant 0 : i32
    %dma_wait3A_118 = tpu.memref_slice %arg5[%dma_wait3A_116, %dma_wait3A_117] : memref<10240x128xf32, #tpu.memory_space<vmem_shared>> -> memref<10240x128xf32, #tpu.memory_space<vmem_shared>>
    tpu.wait_indirect_dma semaphore(%arg11 : memref<!tpu.dma_semaphore, #tpu.memory_space<semaphore_mem>>) src(%dma_wait3A_112 : memref<80x128xf32, #tpu.memory_space<vmem>>) dst(%dma_wait3A_118 : memref<10240x128xf32, #tpu.memory_space<vmem_shared>>)
    %barrier3A_119 = arith.constant 0 : index
    tpu.barrier barrier_id(%barrier3A_119)
    %mul3A_120 = arith.constant 10240 : i32
    %mul3A_121 = arith.muli %arg0, %mul3A_120 : i32
    %add3A_122 = arith.addi %mul3A_121, %mul3A_0 : i32
    "tpu.region"() ({
      %run_scoped3A = tpu.sem_alloc : memref<!tpu.dma_semaphore, #tpu.memory_space<semaphore_mem>>
      %dma_start3A_123 = arith.constant 0 : i32
      %dma_start3A_124 = tpu.memref_slice %arg4[%add3A_122, %dma_start3A_123] : memref<20480x128xf32, #tpu.memory_space<hbm>> -> memref<640x128xf32, #tpu.memory_space<hbm>>
      %dma_start3A_125 = arith.constant 0 : i32
      %dma_start3A_126 = tpu.memref_slice %arg5[%mul3A_0, %dma_start3A_125] : memref<10240x128xf32, #tpu.memory_space<vmem_shared>> -> memref<640x128xf32, #tpu.memory_space<vmem_shared>>
      tpu.enqueue_dma source(%dma_start3A_126 : memref<640x128xf32, #tpu.memory_space<vmem_shared>>) target(%dma_start3A_124 : memref<640x128xf32, #tpu.memory_space<hbm>>) target_semaphore(%run_scoped3A : memref<!tpu.dma_semaphore, #tpu.memory_space<semaphore_mem>>)
      %dma_wait3A_127 = arith.constant 0 : i32
      %dma_wait3A_128 = tpu.memref_slice %arg4[%add3A_122, %dma_wait3A_127] : memref<20480x128xf32, #tpu.memory_space<hbm>> -> memref<640x128xf32, #tpu.memory_space<hbm>>
      %dma_wait3A_129 = arith.constant 0 : i32
      %dma_wait3A_130 = tpu.memref_slice %arg5[%mul3A_0, %dma_wait3A_129] : memref<10240x128xf32, #tpu.memory_space<vmem_shared>> -> memref<640x128xf32, #tpu.memory_space<vmem_shared>>
      tpu.wait_dma2 semaphore(%run_scoped3A : memref<!tpu.dma_semaphore, #tpu.memory_space<semaphore_mem>>) src(%dma_wait3A_130 : memref<640x128xf32, #tpu.memory_space<vmem_shared>>) dst(%dma_wait3A_128 : memref<640x128xf32, #tpu.memory_space<hbm>>)
      tpu.yield
    }) : () -> ()
    return
  }
}

#map = affine_map<(d0, d1) -> (0)>
module attributes {stable_mosaic.version = 14 : i64} {
  func.func @_dinv_kernel(%arg0: i32, %arg1: i32, %arg2: memref<160000xi32, #tpu.memory_space<hbm>>, %arg3: memref<10240xf32, #tpu.memory_space<hbm>>, %arg4: memref<10000xi32, #tpu.memory_space<vmem>>, %arg5: memref<10240xf32, #tpu.memory_space<vmem>>, %arg6: memref<16x10240xf32, #tpu.memory_space<vmem_shared>>, %arg7: memref<640xf32, #tpu.memory_space<vmem>>, %arg8: memref<640xf32, #tpu.memory_space<vmem>>) attributes {dimension_semantics = [#tpu.dimension_semantics<core_parallel>, #tpu.dimension_semantics<subcore_parallel>], iteration_bounds = array<i64: 2, 16>, scalar_prefetch = 0 : i64, scratch_operands = 5 : i64, tpu.core_type = #tpu.core_type<sc_vector_subcore>, window_params = [{transform_indices = #map}, {transform_indices = #map}]} {
    %broadcast_in_dim3A = arith.constant 0.000000e+00 : f32
    %broadcast_in_dim3A_0 = vector.broadcast %broadcast_in_dim3A : f32 to vector<16xf32>
    %scan3A = arith.constant 0 : i32
    %scan3A_1 = arith.constant 0 : i32
    %scan3A_2 = arith.constant 640 : i32
    %scan3A_3 = arith.addi %scan3A_1, %scan3A_2 : i32
    %scan3A_4 = arith.constant 1 : i32
    scf.for %scan3A_31 = %scan3A_1 to %scan3A_3 step %scan3A_4  : i32 {
      %mul3A_32 = arith.constant 16 : i32
      %mul3A_33 = arith.muli %scan3A_31, %mul3A_32 : i32
      %swap3A = arith.index_cast %mul3A_33 : i32 to index
      %swap3A_34 = tpu.vector_load %arg5[%swap3A] {strides = array<i32>} : memref<10240xf32, #tpu.memory_space<vmem>>, vector<16xf32>,
      tpu.vector_store %arg5[%swap3A], %broadcast_in_dim3A_0 {strides = array<i32>} : memref<10240xf32, #tpu.memory_space<vmem>>, vector<16xf32>,
    }
    %scan3A_5 = arith.constant 640 : i32
    %mul3A = arith.constant 10000 : i32
    %mul3A_6 = arith.muli %arg1, %mul3A : i32
    "tpu.region"() ({
      %run_scoped3A_31 = tpu.sem_alloc : memref<!tpu.dma_semaphore, #tpu.memory_space<semaphore_mem>>
      %dma_start3A = tpu.memref_slice %arg2[%mul3A_6] : memref<160000xi32, #tpu.memory_space<hbm>> -> memref<10000xi32, #tpu.memory_space<hbm>>
      %dma_start3A_32 = tpu.memref_slice %arg2[%mul3A_6] : memref<160000xi32, #tpu.memory_space<hbm>> -> memref<10000xi32, #tpu.memory_space<hbm>>
      tpu.enqueue_dma source(%dma_start3A_32 : memref<10000xi32, #tpu.memory_space<hbm>>) target(%arg4 : memref<10000xi32, #tpu.memory_space<vmem>>) target_semaphore(%run_scoped3A_31 : memref<!tpu.dma_semaphore, #tpu.memory_space<semaphore_mem>>)
      %dma_wait3A = tpu.memref_slice %arg2[%mul3A_6] : memref<160000xi32, #tpu.memory_space<hbm>> -> memref<10000xi32, #tpu.memory_space<hbm>>
      %dma_wait3A_33 = tpu.memref_slice %arg2[%mul3A_6] : memref<160000xi32, #tpu.memory_space<hbm>> -> memref<10000xi32, #tpu.memory_space<hbm>>
      tpu.wait_dma2 semaphore(%run_scoped3A_31 : memref<!tpu.dma_semaphore, #tpu.memory_space<semaphore_mem>>) src(%dma_wait3A_33 : memref<10000xi32, #tpu.memory_space<hbm>>) dst(%arg4 : memref<10000xi32, #tpu.memory_space<vmem>>)
      tpu.yield
    }) : () -> ()
    %broadcast_in_dim3A_7 = arith.constant 1.000000e+00 : f32
    %broadcast_in_dim3A_8 = vector.broadcast %broadcast_in_dim3A_7 : f32 to vector<16xf32>
    %scan3A_9 = arith.constant 0 : i32
    %scan3A_10 = arith.constant 0 : i32
    %scan3A_11 = arith.constant 625 : i32
    %scan3A_12 = arith.addi %scan3A_10, %scan3A_11 : i32
    %scan3A_13 = arith.constant 1 : i32
    scf.for %scan3A_31 = %scan3A_10 to %scan3A_12 step %scan3A_13  : i32 {
      %mul3A_32 = arith.constant 16 : i32
      %mul3A_33 = arith.muli %scan3A_31, %mul3A_32 : i32
      %get3A = arith.index_cast %mul3A_33 : i32 to index
      %get3A_34 = tpu.vector_load %arg4[%get3A] {strides = array<i32>} : memref<10000xi32, #tpu.memory_space<vmem>>, vector<16xi32>,
      tpu.vector_store_idx %arg5[%get3A_34], %broadcast_in_dim3A_8 {add = true} : memref<10240xf32, #tpu.memory_space<vmem>>[vector<16xi32>], vector<16xf32>,
    }
    %scan3A_14 = arith.constant 625 : i32
    "tpu.region"() ({
      %run_scoped3A_31 = tpu.sem_alloc : memref<!tpu.dma_semaphore, #tpu.memory_space<semaphore_mem>>
      %dma_start3A = arith.constant 0 : i32
      %dma_start3A_32 = tpu.memref_slice %arg6[%arg1, %dma_start3A] : memref<16x10240xf32, #tpu.memory_space<vmem_shared>> -> memref<1x10240xf32, #tpu.memory_space<vmem_shared>>
      %dma_start3A_33 = tpu.memref_squeeze %dma_start3A_32 : memref<1x10240xf32, #tpu.memory_space<vmem_shared>> -> memref<10240xf32, #tpu.memory_space<vmem_shared>>
      %dma_start3A_34 = arith.constant 0 : i32
      %dma_start3A_35 = tpu.memref_slice %arg6[%arg1, %dma_start3A_34] : memref<16x10240xf32, #tpu.memory_space<vmem_shared>> -> memref<1x10240xf32, #tpu.memory_space<vmem_shared>>
      %dma_start3A_36 = tpu.memref_squeeze %dma_start3A_35 : memref<1x10240xf32, #tpu.memory_space<vmem_shared>> -> memref<10240xf32, #tpu.memory_space<vmem_shared>>
      tpu.enqueue_dma source(%arg5 : memref<10240xf32, #tpu.memory_space<vmem>>) target(%dma_start3A_36 : memref<10240xf32, #tpu.memory_space<vmem_shared>>) target_semaphore(%run_scoped3A_31 : memref<!tpu.dma_semaphore, #tpu.memory_space<semaphore_mem>>)
      %dma_wait3A = arith.constant 0 : i32
      %dma_wait3A_37 = tpu.memref_slice %arg6[%arg1, %dma_wait3A] : memref<16x10240xf32, #tpu.memory_space<vmem_shared>> -> memref<1x10240xf32, #tpu.memory_space<vmem_shared>>
      %dma_wait3A_38 = tpu.memref_squeeze %dma_wait3A_37 : memref<1x10240xf32, #tpu.memory_space<vmem_shared>> -> memref<10240xf32, #tpu.memory_space<vmem_shared>>
      %dma_wait3A_39 = arith.constant 0 : i32
      %dma_wait3A_40 = tpu.memref_slice %arg6[%arg1, %dma_wait3A_39] : memref<16x10240xf32, #tpu.memory_space<vmem_shared>> -> memref<1x10240xf32, #tpu.memory_space<vmem_shared>>
      %dma_wait3A_41 = tpu.memref_squeeze %dma_wait3A_40 : memref<1x10240xf32, #tpu.memory_space<vmem_shared>> -> memref<10240xf32, #tpu.memory_space<vmem_shared>>
      tpu.wait_dma2 semaphore(%run_scoped3A_31 : memref<!tpu.dma_semaphore, #tpu.memory_space<semaphore_mem>>) src(%arg5 : memref<10240xf32, #tpu.memory_space<vmem>>) dst(%dma_wait3A_41 : memref<10240xf32, #tpu.memory_space<vmem_shared>>)
      tpu.yield
    }) : () -> ()
    %barrier3A = arith.constant 0 : index
    tpu.barrier barrier_id(%barrier3A)
    %mul3A_15 = arith.constant 640 : i32
    %mul3A_16 = arith.muli %arg1, %mul3A_15 : i32
    %run_scoped3A = arith.constant 0 : i32
    "tpu.region"() ({
      %run_scoped3A_31 = tpu.sem_alloc : memref<!tpu.dma_semaphore, #tpu.memory_space<semaphore_mem>>
      %dma_start3A = tpu.memref_slice %arg6[%run_scoped3A, %mul3A_16] : memref<16x10240xf32, #tpu.memory_space<vmem_shared>> -> memref<1x640xf32, #tpu.memory_space<vmem_shared>>
      %dma_start3A_32 = tpu.memref_squeeze %dma_start3A : memref<1x640xf32, #tpu.memory_space<vmem_shared>> -> memref<640xf32, #tpu.memory_space<vmem_shared>>
      %dma_start3A_33 = tpu.memref_slice %arg6[%run_scoped3A, %mul3A_16] : memref<16x10240xf32, #tpu.memory_space<vmem_shared>> -> memref<1x640xf32, #tpu.memory_space<vmem_shared>>
      %dma_start3A_34 = tpu.memref_squeeze %dma_start3A_33 : memref<1x640xf32, #tpu.memory_space<vmem_shared>> -> memref<640xf32, #tpu.memory_space<vmem_shared>>
      tpu.enqueue_dma source(%dma_start3A_34 : memref<640xf32, #tpu.memory_space<vmem_shared>>) target(%arg7 : memref<640xf32, #tpu.memory_space<vmem>>) target_semaphore(%run_scoped3A_31 : memref<!tpu.dma_semaphore, #tpu.memory_space<semaphore_mem>>)
      %dma_wait3A = tpu.memref_slice %arg6[%run_scoped3A, %mul3A_16] : memref<16x10240xf32, #tpu.memory_space<vmem_shared>> -> memref<1x640xf32, #tpu.memory_space<vmem_shared>>
      %dma_wait3A_35 = tpu.memref_squeeze %dma_wait3A : memref<1x640xf32, #tpu.memory_space<vmem_shared>> -> memref<640xf32, #tpu.memory_space<vmem_shared>>
      %dma_wait3A_36 = tpu.memref_slice %arg6[%run_scoped3A, %mul3A_16] : memref<16x10240xf32, #tpu.memory_space<vmem_shared>> -> memref<1x640xf32, #tpu.memory_space<vmem_shared>>
      %dma_wait3A_37 = tpu.memref_squeeze %dma_wait3A_36 : memref<1x640xf32, #tpu.memory_space<vmem_shared>> -> memref<640xf32, #tpu.memory_space<vmem_shared>>
      tpu.wait_dma2 semaphore(%run_scoped3A_31 : memref<!tpu.dma_semaphore, #tpu.memory_space<semaphore_mem>>) src(%dma_wait3A_37 : memref<640xf32, #tpu.memory_space<vmem_shared>>) dst(%arg7 : memref<640xf32, #tpu.memory_space<vmem>>)
      tpu.yield
    }) : () -> ()
    %scan3A_17 = arith.constant 0 : i32
    %scan3A_18 = arith.constant 1 : i32
    %scan3A_19 = arith.constant 15 : i32
    %scan3A_20 = arith.addi %scan3A_18, %scan3A_19 : i32
    %scan3A_21 = arith.constant 1 : i32
    scf.for %scan3A_31 = %scan3A_18 to %scan3A_20 step %scan3A_21  : i32 {
      "tpu.region"() ({
        %run_scoped3A_38 = tpu.sem_alloc : memref<!tpu.dma_semaphore, #tpu.memory_space<semaphore_mem>>
        %dma_start3A = tpu.memref_slice %arg6[%scan3A_31, %mul3A_16] : memref<16x10240xf32, #tpu.memory_space<vmem_shared>> -> memref<1x640xf32, #tpu.memory_space<vmem_shared>>
        %dma_start3A_39 = tpu.memref_squeeze %dma_start3A : memref<1x640xf32, #tpu.memory_space<vmem_shared>> -> memref<640xf32, #tpu.memory_space<vmem_shared>>
        %dma_start3A_40 = tpu.memref_slice %arg6[%scan3A_31, %mul3A_16] : memref<16x10240xf32, #tpu.memory_space<vmem_shared>> -> memref<1x640xf32, #tpu.memory_space<vmem_shared>>
        %dma_start3A_41 = tpu.memref_squeeze %dma_start3A_40 : memref<1x640xf32, #tpu.memory_space<vmem_shared>> -> memref<640xf32, #tpu.memory_space<vmem_shared>>
        tpu.enqueue_dma source(%dma_start3A_41 : memref<640xf32, #tpu.memory_space<vmem_shared>>) target(%arg8 : memref<640xf32, #tpu.memory_space<vmem>>) target_semaphore(%run_scoped3A_38 : memref<!tpu.dma_semaphore, #tpu.memory_space<semaphore_mem>>)
        %dma_wait3A = tpu.memref_slice %arg6[%scan3A_31, %mul3A_16] : memref<16x10240xf32, #tpu.memory_space<vmem_shared>> -> memref<1x640xf32, #tpu.memory_space<vmem_shared>>
        %dma_wait3A_42 = tpu.memref_squeeze %dma_wait3A : memref<1x640xf32, #tpu.memory_space<vmem_shared>> -> memref<640xf32, #tpu.memory_space<vmem_shared>>
        %dma_wait3A_43 = tpu.memref_slice %arg6[%scan3A_31, %mul3A_16] : memref<16x10240xf32, #tpu.memory_space<vmem_shared>> -> memref<1x640xf32, #tpu.memory_space<vmem_shared>>
        %dma_wait3A_44 = tpu.memref_squeeze %dma_wait3A_43 : memref<1x640xf32, #tpu.memory_space<vmem_shared>> -> memref<640xf32, #tpu.memory_space<vmem_shared>>
        tpu.wait_dma2 semaphore(%run_scoped3A_38 : memref<!tpu.dma_semaphore, #tpu.memory_space<semaphore_mem>>) src(%dma_wait3A_44 : memref<640xf32, #tpu.memory_space<vmem_shared>>) dst(%arg8 : memref<640xf32, #tpu.memory_space<vmem>>)
        tpu.yield
      }) : () -> ()
      %scan3A_32 = arith.constant 0 : i32
      %scan3A_33 = arith.constant 0 : i32
      %scan3A_34 = arith.constant 40 : i32
      %scan3A_35 = arith.addi %scan3A_33, %scan3A_34 : i32
      %scan3A_36 = arith.constant 1 : i32
      scf.for %scan3A_38 = %scan3A_33 to %scan3A_35 step %scan3A_36  : i32 {
        %mul3A_39 = arith.constant 16 : i32
        %mul3A_40 = arith.muli %scan3A_38, %mul3A_39 : i32
        %get3A = arith.index_cast %mul3A_40 : i32 to index
        %get3A_41 = tpu.vector_load %arg7[%get3A] {strides = array<i32>} : memref<640xf32, #tpu.memory_space<vmem>>, vector<16xf32>,
        %mul3A_42 = arith.constant 16 : i32
        %mul3A_43 = arith.muli %scan3A_38, %mul3A_42 : i32
        %get3A_44 = arith.index_cast %mul3A_43 : i32 to index
        %get3A_45 = tpu.vector_load %arg8[%get3A_44] {strides = array<i32>} : memref<640xf32, #tpu.memory_space<vmem>>, vector<16xf32>,
        %add3A = arith.addf %get3A_41, %get3A_45 : vector<16xf32>
        %mul3A_46 = arith.constant 16 : i32
        %mul3A_47 = arith.muli %scan3A_38, %mul3A_46 : i32
        %swap3A = arith.index_cast %mul3A_47 : i32 to index
        %swap3A_48 = tpu.vector_load %arg7[%swap3A] {strides = array<i32>} : memref<640xf32, #tpu.memory_space<vmem>>, vector<16xf32>,
        tpu.vector_store %arg7[%swap3A], %add3A {strides = array<i32>} : memref<640xf32, #tpu.memory_space<vmem>>, vector<16xf32>,
      }
      %scan3A_37 = arith.constant 40 : i32
    }
    %scan3A_22 = arith.constant 15 : i32
    %scan3A_23 = arith.constant 0 : i32
    %scan3A_24 = arith.constant 0 : i32
    %scan3A_25 = arith.constant 40 : i32
    %scan3A_26 = arith.addi %scan3A_24, %scan3A_25 : i32
    %scan3A_27 = arith.constant 1 : i32
    scf.for %scan3A_31 = %scan3A_24 to %scan3A_26 step %scan3A_27  : i32 {
      %mul3A_32 = arith.constant 16 : i32
      %mul3A_33 = arith.muli %scan3A_31, %mul3A_32 : i32
      %get3A = arith.index_cast %mul3A_33 : i32 to index
      %get3A_34 = tpu.vector_load %arg7[%get3A] {strides = array<i32>} : memref<640xf32, #tpu.memory_space<vmem>>, vector<16xf32>,
      %add3A = arith.constant 1.000000e+00 : f32
      %add3A_35 = vector.broadcast %add3A : f32 to vector<16xf32>
      %add3A_36 = arith.addf %get3A_34, %add3A_35 : vector<16xf32>
      %bitcast3A = vector.bitcast %add3A_36 : vector<16xf32> to vector<16xi32>
      %shift_right_logical3A = arith.constant 1 : i32
      %shift_right_logical3A_37 = vector.broadcast %shift_right_logical3A : i32 to vector<16xi32>
      %shift_right_logical3A_38 = arith.shrui %bitcast3A, %shift_right_logical3A_37 : vector<16xi32>
      %sub3A = arith.constant 1597463007 : i32
      %sub3A_39 = vector.broadcast %sub3A : i32 to vector<16xi32>
      %sub3A_40 = arith.subi %sub3A_39, %shift_right_logical3A_38 : vector<16xi32>
      %bitcast3A_41 = vector.bitcast %sub3A_40 : vector<16xi32> to vector<16xf32>
      %mul3A_42 = arith.constant 5.000000e-01 : f32
      %mul3A_43 = vector.broadcast %mul3A_42 : f32 to vector<16xf32>
      %mul3A_44 = arith.mulf %mul3A_43, %add3A_36 : vector<16xf32>
      %mul3A_45 = arith.mulf %mul3A_44, %bitcast3A_41 : vector<16xf32>
      %mul3A_46 = arith.mulf %mul3A_45, %bitcast3A_41 : vector<16xf32>
      %sub3A_47 = arith.constant 1.500000e+00 : f32
      %sub3A_48 = vector.broadcast %sub3A_47 : f32 to vector<16xf32>
      %sub3A_49 = arith.subf %sub3A_48, %mul3A_46 : vector<16xf32>
      %mul3A_50 = arith.mulf %bitcast3A_41, %sub3A_49 : vector<16xf32>
      %mul3A_51 = arith.constant 5.000000e-01 : f32
      %mul3A_52 = vector.broadcast %mul3A_51 : f32 to vector<16xf32>
      %mul3A_53 = arith.mulf %mul3A_52, %add3A_36 : vector<16xf32>
      %mul3A_54 = arith.mulf %mul3A_53, %mul3A_50 : vector<16xf32>
      %mul3A_55 = arith.mulf %mul3A_54, %mul3A_50 : vector<16xf32>
      %sub3A_56 = arith.constant 1.500000e+00 : f32
      %sub3A_57 = vector.broadcast %sub3A_56 : f32 to vector<16xf32>
      %sub3A_58 = arith.subf %sub3A_57, %mul3A_55 : vector<16xf32>
      %mul3A_59 = arith.mulf %mul3A_50, %sub3A_58 : vector<16xf32>
      %mul3A_60 = arith.constant 5.000000e-01 : f32
      %mul3A_61 = vector.broadcast %mul3A_60 : f32 to vector<16xf32>
      %mul3A_62 = arith.mulf %mul3A_61, %add3A_36 : vector<16xf32>
      %mul3A_63 = arith.mulf %mul3A_62, %mul3A_59 : vector<16xf32>
      %mul3A_64 = arith.mulf %mul3A_63, %mul3A_59 : vector<16xf32>
      %sub3A_65 = arith.constant 1.500000e+00 : f32
      %sub3A_66 = vector.broadcast %sub3A_65 : f32 to vector<16xf32>
      %sub3A_67 = arith.subf %sub3A_66, %mul3A_64 : vector<16xf32>
      %mul3A_68 = arith.mulf %mul3A_59, %sub3A_67 : vector<16xf32>
      %mul3A_69 = arith.constant 16 : i32
      %mul3A_70 = arith.muli %scan3A_31, %mul3A_69 : i32
      %swap3A = arith.index_cast %mul3A_70 : i32 to index
      %swap3A_71 = tpu.vector_load %arg7[%swap3A] {strides = array<i32>} : memref<640xf32, #tpu.memory_space<vmem>>, vector<16xf32>,
      tpu.vector_store %arg7[%swap3A], %mul3A_68 {strides = array<i32>} : memref<640xf32, #tpu.memory_space<vmem>>, vector<16xf32>,
    }
    %scan3A_28 = arith.constant 40 : i32
    %eq3A = arith.constant 0 : i32
    %eq3A_29 = arith.cmpi eq, %arg0, %eq3A : i32
    %convert_element_type3A = arith.extui %eq3A_29 : i1 to i32
    %cond3A = arith.constant 0 : i32
    %cond3A_30 = arith.cmpi ne, %convert_element_type3A, %cond3A : i32
    scf.if %cond3A_30 {
      "tpu.region"() ({
        %run_scoped3A_31 = tpu.sem_alloc : memref<!tpu.dma_semaphore, #tpu.memory_space<semaphore_mem>>
        %dma_start3A = tpu.memref_slice %arg3[%mul3A_16] : memref<10240xf32, #tpu.memory_space<hbm>> -> memref<640xf32, #tpu.memory_space<hbm>>
        %dma_start3A_32 = tpu.memref_slice %arg3[%mul3A_16] : memref<10240xf32, #tpu.memory_space<hbm>> -> memref<640xf32, #tpu.memory_space<hbm>>
        tpu.enqueue_dma source(%arg7 : memref<640xf32, #tpu.memory_space<vmem>>) target(%dma_start3A_32 : memref<640xf32, #tpu.memory_space<hbm>>) target_semaphore(%run_scoped3A_31 : memref<!tpu.dma_semaphore, #tpu.memory_space<semaphore_mem>>)
        %dma_wait3A = tpu.memref_slice %arg3[%mul3A_16] : memref<10240xf32, #tpu.memory_space<hbm>> -> memref<640xf32, #tpu.memory_space<hbm>>
        %dma_wait3A_33 = tpu.memref_slice %arg3[%mul3A_16] : memref<10240xf32, #tpu.memory_space<hbm>> -> memref<640xf32, #tpu.memory_space<hbm>>
        tpu.wait_dma2 semaphore(%run_scoped3A_31 : memref<!tpu.dma_semaphore, #tpu.memory_space<semaphore_mem>>) src(%arg7 : memref<640xf32, #tpu.memory_space<vmem>>) dst(%dma_wait3A_33 : memref<640xf32, #tpu.memory_space<hbm>>)
        tpu.yield
      }) : () -> ()
    } else {
    }
    return
  }
}

#map = affine_map<(d0, d1) -> (0, 0)>
module attributes {stable_mosaic.version = 14 : i64} {
  func.func @_k(%arg0: i32, %arg1: i32, %arg2: memref<20480x128xf32, #tpu.memory_space<hbm>>, %arg3: memref<16x10000xi32, #tpu.memory_space<hbm>>, %arg4: memref<20480x128xf32, #tpu.memory_space<hbm>>, %arg5: memref<10240x128xf32, #tpu.memory_space<vmem_shared>>, %arg6: memref<10000xi32, #tpu.memory_space<vmem>>, %arg7: memref<2x80xi32, #tpu.memory_space<vmem>>, %arg8: memref<2x80xi32, #tpu.memory_space<vmem>>, %arg9: memref<2x80x128xf32, #tpu.memory_space<vmem>>, %arg10: memref<!tpu.dma_semaphore, #tpu.memory_space<semaphore_mem>>, %arg11: memref<!tpu.dma_semaphore, #tpu.memory_space<semaphore_mem>>) attributes {dimension_semantics = [#tpu.dimension_semantics<core_parallel>, #tpu.dimension_semantics<subcore_parallel>], iteration_bounds = array<i64: 2, 16>, scalar_prefetch = 0 : i64, scratch_operands = 7 : i64, tpu.core_type = #tpu.core_type<sc_vector_subcore>, window_params = [{transform_indices = #map}, {transform_indices = #map}, {transform_indices = #map}]} {
    %mul3A = arith.constant 640 : i32
    %mul3A_0 = arith.muli %arg1, %mul3A : i32
    %mul3A_1 = arith.constant 10240 : i32
    %mul3A_2 = arith.muli %arg0, %mul3A_1 : i32
    %add3A = arith.addi %mul3A_2, %mul3A_0 : i32
    "tpu.region"() ({
      %run_scoped3A = tpu.sem_alloc : memref<!tpu.dma_semaphore, #tpu.memory_space<semaphore_mem>>
      %dma_start3A_123 = arith.constant 0 : i32
      %dma_start3A_124 = tpu.memref_slice %arg5[%mul3A_0, %dma_start3A_123] : memref<10240x128xf32, #tpu.memory_space<vmem_shared>> -> memref<640x128xf32, #tpu.memory_space<vmem_shared>>
      %dma_start3A_125 = arith.constant 0 : i32
      %dma_start3A_126 = tpu.memref_slice %arg2[%add3A, %dma_start3A_125] : memref<20480x128xf32, #tpu.memory_space<hbm>> -> memref<640x128xf32, #tpu.memory_space<hbm>>
      tpu.enqueue_dma source(%dma_start3A_126 : memref<640x128xf32, #tpu.memory_space<hbm>>) target(%dma_start3A_124 : memref<640x128xf32, #tpu.memory_space<vmem_shared>>) target_semaphore(%run_scoped3A : memref<!tpu.dma_semaphore, #tpu.memory_space<semaphore_mem>>)
      %dma_wait3A_127 = arith.constant 0 : i32
      %dma_wait3A_128 = tpu.memref_slice %arg5[%mul3A_0, %dma_wait3A_127] : memref<10240x128xf32, #tpu.memory_space<vmem_shared>> -> memref<640x128xf32, #tpu.memory_space<vmem_shared>>
      %dma_wait3A_129 = arith.constant 0 : i32
      %dma_wait3A_130 = tpu.memref_slice %arg2[%add3A, %dma_wait3A_129] : memref<20480x128xf32, #tpu.memory_space<hbm>> -> memref<640x128xf32, #tpu.memory_space<hbm>>
      tpu.wait_dma2 semaphore(%run_scoped3A : memref<!tpu.dma_semaphore, #tpu.memory_space<semaphore_mem>>) src(%dma_wait3A_130 : memref<640x128xf32, #tpu.memory_space<hbm>>) dst(%dma_wait3A_128 : memref<640x128xf32, #tpu.memory_space<vmem_shared>>)
      tpu.yield
    }) : () -> ()
    "tpu.region"() ({
      %run_scoped3A = tpu.sem_alloc : memref<!tpu.dma_semaphore, #tpu.memory_space<semaphore_mem>>
      %dma_start3A_123 = arith.constant 0 : i32
      %dma_start3A_124 = tpu.memref_slice %arg3[%arg1, %dma_start3A_123] : memref<16x10000xi32, #tpu.memory_space<hbm>> -> memref<1x10000xi32, #tpu.memory_space<hbm>>
      %dma_start3A_125 = tpu.memref_squeeze %dma_start3A_124 : memref<1x10000xi32, #tpu.memory_space<hbm>> -> memref<10000xi32, #tpu.memory_space<hbm>>
      %dma_start3A_126 = arith.constant 0 : i32
      %dma_start3A_127 = tpu.memref_slice %arg3[%arg1, %dma_start3A_126] : memref<16x10000xi32, #tpu.memory_space<hbm>> -> memref<1x10000xi32, #tpu.memory_space<hbm>>
      %dma_start3A_128 = tpu.memref_squeeze %dma_start3A_127 : memref<1x10000xi32, #tpu.memory_space<hbm>> -> memref<10000xi32, #tpu.memory_space<hbm>>
      tpu.enqueue_dma source(%dma_start3A_128 : memref<10000xi32, #tpu.memory_space<hbm>>) target(%arg6 : memref<10000xi32, #tpu.memory_space<vmem>>) target_semaphore(%run_scoped3A : memref<!tpu.dma_semaphore, #tpu.memory_space<semaphore_mem>>)
      %dma_wait3A_129 = arith.constant 0 : i32
      %dma_wait3A_130 = tpu.memref_slice %arg3[%arg1, %dma_wait3A_129] : memref<16x10000xi32, #tpu.memory_space<hbm>> -> memref<1x10000xi32, #tpu.memory_space<hbm>>
      %dma_wait3A_131 = tpu.memref_squeeze %dma_wait3A_130 : memref<1x10000xi32, #tpu.memory_space<hbm>> -> memref<10000xi32, #tpu.memory_space<hbm>>
      %dma_wait3A_132 = arith.constant 0 : i32
      %dma_wait3A_133 = tpu.memref_slice %arg3[%arg1, %dma_wait3A_132] : memref<16x10000xi32, #tpu.memory_space<hbm>> -> memref<1x10000xi32, #tpu.memory_space<hbm>>
      %dma_wait3A_134 = tpu.memref_squeeze %dma_wait3A_133 : memref<1x10000xi32, #tpu.memory_space<hbm>> -> memref<10000xi32, #tpu.memory_space<hbm>>
      tpu.wait_dma2 semaphore(%run_scoped3A : memref<!tpu.dma_semaphore, #tpu.memory_space<semaphore_mem>>) src(%dma_wait3A_134 : memref<10000xi32, #tpu.memory_space<hbm>>) dst(%arg6 : memref<10000xi32, #tpu.memory_space<vmem>>)
      tpu.yield
    }) : () -> ()
    %barrier3A = arith.constant 0 : index
    tpu.barrier barrier_id(%barrier3A)
    %mul3A_3 = arith.constant 10240 : i32
    %mul3A_4 = arith.muli %arg0, %mul3A_3 : i32
    %scan3A = arith.constant 0 : i32
    %scan3A_5 = arith.constant 65535 : i32
    %scan3A_6 = arith.constant 0 : i32
    %scan3A_7 = arith.constant 5 : i32
    %scan3A_8 = arith.addi %scan3A_6, %scan3A_7 : i32
    %scan3A_9 = arith.constant 1 : i32
    scf.for %scan3A_123 = %scan3A_6 to %scan3A_8 step %scan3A_9  : i32 {
      %mul3A_124 = arith.constant 16 : i32
      %mul3A_125 = arith.muli %scan3A_123, %mul3A_124 : i32
      %add3A_126 = arith.constant 0 : i32
      %add3A_127 = arith.addi %add3A_126, %mul3A_125 : i32
      %get3A = arith.index_cast %add3A_127 : i32 to index
      %get3A_128 = tpu.vector_load %arg6[%get3A] {strides = array<i32>} : memref<10000xi32, #tpu.memory_space<vmem>>, vector<16xi32>,
      %and3A = vector.broadcast %scan3A_5 : i32 to vector<16xi32>
      %and3A_129 = arith.andi %get3A_128, %and3A : vector<16xi32>
      %add3A_130 = vector.broadcast %mul3A_4 : i32 to vector<16xi32>
      %add3A_131 = arith.addi %and3A_129, %add3A_130 : vector<16xi32>
      %mul3A_132 = arith.constant 16 : i32
      %mul3A_133 = arith.muli %scan3A_123, %mul3A_132 : i32
      %swap3A = arith.constant 0 : i32
      %swap3A_134 = arith.index_cast %swap3A : i32 to index
      %swap3A_135 = arith.index_cast %mul3A_133 : i32 to index
      %swap3A_136 = tpu.vector_load %arg7[%swap3A_134, %swap3A_135] {strides = array<i32>} : memref<2x80xi32, #tpu.memory_space<vmem>>, vector<16xi32>,
      tpu.vector_store %arg7[%swap3A_134, %swap3A_135], %add3A_131 {strides = array<i32>} : memref<2x80xi32, #tpu.memory_space<vmem>>, vector<16xi32>,
      %shift_right_logical3A = arith.constant 16 : i32
      %shift_right_logical3A_137 = vector.broadcast %shift_right_logical3A : i32 to vector<16xi32>
      %shift_right_logical3A_138 = arith.shrui %get3A_128, %shift_right_logical3A_137 : vector<16xi32>
      %mul3A_139 = arith.constant 16 : i32
      %mul3A_140 = arith.muli %scan3A_123, %mul3A_139 : i32
      %swap3A_141 = arith.constant 0 : i32
      %swap3A_142 = arith.index_cast %swap3A_141 : i32 to index
      %swap3A_143 = arith.index_cast %mul3A_140 : i32 to index
      %swap3A_144 = tpu.vector_load %arg8[%swap3A_142, %swap3A_143] {strides = array<i32>} : memref<2x80xi32, #tpu.memory_space<vmem>>, vector<16xi32>,
      tpu.vector_store %arg8[%swap3A_142, %swap3A_143], %shift_right_logical3A_138 {strides = array<i32>} : memref<2x80xi32, #tpu.memory_space<vmem>>, vector<16xi32>,
    }
    %scan3A_10 = arith.constant 5 : i32
    %dma_start3A = arith.constant 0 : i32
    %dma_start3A_11 = arith.constant 0 : i32
    %dma_start3A_12 = arith.constant 0 : i32
    %dma_start3A_13 = arith.constant 0 : i32
    %dma_start3A_14 = tpu.memref_slice %arg9[%dma_start3A_11, %dma_start3A_12, %dma_start3A_13] : memref<2x80x128xf32, #tpu.memory_space<vmem>> -> memref<1x80x128xf32, #tpu.memory_space<vmem>>
    %dma_start3A_15 = tpu.memref_squeeze %dma_start3A_14 : memref<1x80x128xf32, #tpu.memory_space<vmem>> -> memref<80x128xf32, #tpu.memory_space<vmem>>
    %dma_start3A_16 = arith.constant 0 : i32
    %dma_start3A_17 = tpu.memref_slice %arg7[%dma_start3A, %dma_start3A_16] : memref<2x80xi32, #tpu.memory_space<vmem>> -> memref<1x80xi32, #tpu.memory_space<vmem>>
    %dma_start3A_18 = tpu.memref_squeeze %dma_start3A_17 : memref<1x80xi32, #tpu.memory_space<vmem>> -> memref<80xi32, #tpu.memory_space<vmem>>
    %dma_start3A_19 = arith.constant 0 : i32
    %dma_start3A_20 = arith.constant 0 : i32
    %dma_start3A_21 = tpu.memref_slice %arg2[%dma_start3A_19, %dma_start3A_20] : memref<20480x128xf32, #tpu.memory_space<hbm>> -> memref<20480x128xf32, #tpu.memory_space<hbm>>
    tpu.enqueue_indirect_dma source(%dma_start3A_21 : memref<20480x128xf32, #tpu.memory_space<hbm>>) target(%dma_start3A_15 : memref<80x128xf32, #tpu.memory_space<vmem>>) offsets(%dma_start3A_18 : memref<80xi32, #tpu.memory_space<vmem>>) semaphore(%arg10 : memref<!tpu.dma_semaphore, #tpu.memory_space<semaphore_mem>>)
    %scan3A_22 = arith.constant 0 : i32
    %scan3A_23 = arith.constant 65535 : i32
    %scan3A_24 = arith.constant 0 : i32
    %scan3A_25 = arith.constant 5 : i32
    %scan3A_26 = arith.addi %scan3A_24, %scan3A_25 : i32
    %scan3A_27 = arith.constant 1 : i32
    scf.for %scan3A_123 = %scan3A_24 to %scan3A_26 step %scan3A_27  : i32 {
      %mul3A_124 = arith.constant 16 : i32
      %mul3A_125 = arith.muli %scan3A_123, %mul3A_124 : i32
      %add3A_126 = arith.constant 80 : i32
      %add3A_127 = arith.addi %add3A_126, %mul3A_125 : i32
      %get3A = arith.index_cast %add3A_127 : i32 to index
      %get3A_128 = tpu.vector_load %arg6[%get3A] {strides = array<i32>} : memref<10000xi32, #tpu.memory_space<vmem>>, vector<16xi32>,
      %and3A = vector.broadcast %scan3A_23 : i32 to vector<16xi32>
      %and3A_129 = arith.andi %get3A_128, %and3A : vector<16xi32>
      %add3A_130 = vector.broadcast %mul3A_4 : i32 to vector<16xi32>
      %add3A_131 = arith.addi %and3A_129, %add3A_130 : vector<16xi32>
      %mul3A_132 = arith.constant 16 : i32
      %mul3A_133 = arith.muli %scan3A_123, %mul3A_132 : i32
      %swap3A = arith.constant 1 : i32
      %swap3A_134 = arith.index_cast %swap3A : i32 to index
      %swap3A_135 = arith.index_cast %mul3A_133 : i32 to index
      %swap3A_136 = tpu.vector_load %arg7[%swap3A_134, %swap3A_135] {strides = array<i32>} : memref<2x80xi32, #tpu.memory_space<vmem>>, vector<16xi32>,
      tpu.vector_store %arg7[%swap3A_134, %swap3A_135], %add3A_131 {strides = array<i32>} : memref<2x80xi32, #tpu.memory_space<vmem>>, vector<16xi32>,
      %shift_right_logical3A = arith.constant 16 : i32
      %shift_right_logical3A_137 = vector.broadcast %shift_right_logical3A : i32 to vector<16xi32>
      %shift_right_logical3A_138 = arith.shrui %get3A_128, %shift_right_logical3A_137 : vector<16xi32>
      %mul3A_139 = arith.constant 16 : i32
      %mul3A_140 = arith.muli %scan3A_123, %mul3A_139 : i32
      %swap3A_141 = arith.constant 1 : i32
      %swap3A_142 = arith.index_cast %swap3A_141 : i32 to index
      %swap3A_143 = arith.index_cast %mul3A_140 : i32 to index
      %swap3A_144 = tpu.vector_load %arg8[%swap3A_142, %swap3A_143] {strides = array<i32>} : memref<2x80xi32, #tpu.memory_space<vmem>>, vector<16xi32>,
      tpu.vector_store %arg8[%swap3A_142, %swap3A_143], %shift_right_logical3A_138 {strides = array<i32>} : memref<2x80xi32, #tpu.memory_space<vmem>>, vector<16xi32>,
    }
    %scan3A_28 = arith.constant 5 : i32
    %dma_start3A_29 = arith.constant 1 : i32
    %dma_start3A_30 = arith.constant 1 : i32
    %dma_start3A_31 = arith.constant 0 : i32
    %dma_start3A_32 = arith.constant 0 : i32
    %dma_start3A_33 = tpu.memref_slice %arg9[%dma_start3A_30, %dma_start3A_31, %dma_start3A_32] : memref<2x80x128xf32, #tpu.memory_space<vmem>> -> memref<1x80x128xf32, #tpu.memory_space<vmem>>
    %dma_start3A_34 = tpu.memref_squeeze %dma_start3A_33 : memref<1x80x128xf32, #tpu.memory_space<vmem>> -> memref<80x128xf32, #tpu.memory_space<vmem>>
    %dma_start3A_35 = arith.constant 0 : i32
    %dma_start3A_36 = tpu.memref_slice %arg7[%dma_start3A_29, %dma_start3A_35] : memref<2x80xi32, #tpu.memory_space<vmem>> -> memref<1x80xi32, #tpu.memory_space<vmem>>
    %dma_start3A_37 = tpu.memref_squeeze %dma_start3A_36 : memref<1x80xi32, #tpu.memory_space<vmem>> -> memref<80xi32, #tpu.memory_space<vmem>>
    %dma_start3A_38 = arith.constant 0 : i32
    %dma_start3A_39 = arith.constant 0 : i32
    %dma_start3A_40 = tpu.memref_slice %arg2[%dma_start3A_38, %dma_start3A_39] : memref<20480x128xf32, #tpu.memory_space<hbm>> -> memref<20480x128xf32, #tpu.memory_space<hbm>>
    tpu.enqueue_indirect_dma source(%dma_start3A_40 : memref<20480x128xf32, #tpu.memory_space<hbm>>) target(%dma_start3A_34 : memref<80x128xf32, #tpu.memory_space<vmem>>) offsets(%dma_start3A_37 : memref<80xi32, #tpu.memory_space<vmem>>) semaphore(%arg10 : memref<!tpu.dma_semaphore, #tpu.memory_space<semaphore_mem>>)
    %dma_wait3A = arith.constant 0 : i32
    %dma_wait3A_41 = arith.constant 0 : i32
    %dma_wait3A_42 = arith.constant 0 : i32
    %dma_wait3A_43 = arith.constant 0 : i32
    %dma_wait3A_44 = tpu.memref_slice %arg9[%dma_wait3A_41, %dma_wait3A_42, %dma_wait3A_43] : memref<2x80x128xf32, #tpu.memory_space<vmem>> -> memref<1x80x128xf32, #tpu.memory_space<vmem>>
    %dma_wait3A_45 = tpu.memref_squeeze %dma_wait3A_44 : memref<1x80x128xf32, #tpu.memory_space<vmem>> -> memref<80x128xf32, #tpu.memory_space<vmem>>
    %dma_wait3A_46 = arith.constant 0 : i32
    %dma_wait3A_47 = tpu.memref_slice %arg7[%dma_wait3A, %dma_wait3A_46] : memref<2x80xi32, #tpu.memory_space<vmem>> -> memref<1x80xi32, #tpu.memory_space<vmem>>
    %dma_wait3A_48 = tpu.memref_squeeze %dma_wait3A_47 : memref<1x80xi32, #tpu.memory_space<vmem>> -> memref<80xi32, #tpu.memory_space<vmem>>
    %dma_wait3A_49 = arith.constant 0 : i32
    %dma_wait3A_50 = arith.constant 0 : i32
    %dma_wait3A_51 = tpu.memref_slice %arg2[%dma_wait3A_49, %dma_wait3A_50] : memref<20480x128xf32, #tpu.memory_space<hbm>> -> memref<20480x128xf32, #tpu.memory_space<hbm>>
    tpu.wait_indirect_dma semaphore(%arg10 : memref<!tpu.dma_semaphore, #tpu.memory_space<semaphore_mem>>) src(%dma_wait3A_51 : memref<20480x128xf32, #tpu.memory_space<hbm>>) dst(%dma_wait3A_45 : memref<80x128xf32, #tpu.memory_space<vmem>>)
    %dma_start3A_52 = arith.constant 0 : i32
    %dma_start3A_53 = arith.constant 0 : i32
    %dma_start3A_54 = arith.constant 0 : i32
    %dma_start3A_55 = arith.constant 0 : i32
    %dma_start3A_56 = tpu.memref_slice %arg9[%dma_start3A_52, %dma_start3A_54, %dma_start3A_55] : memref<2x80x128xf32, #tpu.memory_space<vmem>> -> memref<1x80x128xf32, #tpu.memory_space<vmem>>
    %dma_start3A_57 = tpu.memref_squeeze %dma_start3A_56 : memref<1x80x128xf32, #tpu.memory_space<vmem>> -> memref<80x128xf32, #tpu.memory_space<vmem>>
    %dma_start3A_58 = arith.constant 0 : i32
    %dma_start3A_59 = tpu.memref_slice %arg8[%dma_start3A_53, %dma_start3A_58] : memref<2x80xi32, #tpu.memory_space<vmem>> -> memref<1x80xi32, #tpu.memory_space<vmem>>
    %dma_start3A_60 = tpu.memref_squeeze %dma_start3A_59 : memref<1x80xi32, #tpu.memory_space<vmem>> -> memref<80xi32, #tpu.memory_space<vmem>>
    %dma_start3A_61 = arith.constant 0 : i32
    %dma_start3A_62 = arith.constant 0 : i32
    %dma_start3A_63 = tpu.memref_slice %arg5[%dma_start3A_61, %dma_start3A_62] : memref<10240x128xf32, #tpu.memory_space<vmem_shared>> -> memref<10240x128xf32, #tpu.memory_space<vmem_shared>>
    tpu.enqueue_indirect_dma source(%dma_start3A_57 : memref<80x128xf32, #tpu.memory_space<vmem>>) target(%dma_start3A_63 : memref<10240x128xf32, #tpu.memory_space<vmem_shared>>) offsets(%dma_start3A_60 : memref<80xi32, #tpu.memory_space<vmem>>) semaphore(%arg11 : memref<!tpu.dma_semaphore, #tpu.memory_space<semaphore_mem>>) {add = true}
    %dma_wait3A_64 = arith.constant 1 : i32
    %dma_wait3A_65 = arith.constant 1 : i32
    %dma_wait3A_66 = arith.constant 0 : i32
    %dma_wait3A_67 = arith.constant 0 : i32
    %dma_wait3A_68 = tpu.memref_slice %arg9[%dma_wait3A_65, %dma_wait3A_66, %dma_wait3A_67] : memref<2x80x128xf32, #tpu.memory_space<vmem>> -> memref<1x80x128xf32, #tpu.memory_space<vmem>>
    %dma_wait3A_69 = tpu.memref_squeeze %dma_wait3A_68 : memref<1x80x128xf32, #tpu.memory_space<vmem>> -> memref<80x128xf32, #tpu.memory_space<vmem>>
    %dma_wait3A_70 = arith.constant 0 : i32
    %dma_wait3A_71 = tpu.memref_slice %arg7[%dma_wait3A_64, %dma_wait3A_70] : memref<2x80xi32, #tpu.memory_space<vmem>> -> memref<1x80xi32, #tpu.memory_space<vmem>>
    %dma_wait3A_72 = tpu.memref_squeeze %dma_wait3A_71 : memref<1x80xi32, #tpu.memory_space<vmem>> -> memref<80xi32, #tpu.memory_space<vmem>>
    %dma_wait3A_73 = arith.constant 0 : i32
    %dma_wait3A_74 = arith.constant 0 : i32
    %dma_wait3A_75 = tpu.memref_slice %arg2[%dma_wait3A_73, %dma_wait3A_74] : memref<20480x128xf32, #tpu.memory_space<hbm>> -> memref<20480x128xf32, #tpu.memory_space<hbm>>
    tpu.wait_indirect_dma semaphore(%arg10 : memref<!tpu.dma_semaphore, #tpu.memory_space<semaphore_mem>>) src(%dma_wait3A_75 : memref<20480x128xf32, #tpu.memory_space<hbm>>) dst(%dma_wait3A_69 : memref<80x128xf32, #tpu.memory_space<vmem>>)
    %dma_start3A_76 = arith.constant 1 : i32
    %dma_start3A_77 = arith.constant 1 : i32
    %dma_start3A_78 = arith.constant 0 : i32
    %dma_start3A_79 = arith.constant 0 : i32
    %dma_start3A_80 = tpu.memref_slice %arg9[%dma_start3A_76, %dma_start3A_78, %dma_start3A_79] : memref<2x80x128xf32, #tpu.memory_space<vmem>> -> memref<1x80x128xf32, #tpu.memory_space<vmem>>
    %dma_start3A_81 = tpu.memref_squeeze %dma_start3A_80 : memref<1x80x128xf32, #tpu.memory_space<vmem>> -> memref<80x128xf32, #tpu.memory_space<vmem>>
    %dma_start3A_82 = arith.constant 0 : i32
    %dma_start3A_83 = tpu.memref_slice %arg8[%dma_start3A_77, %dma_start3A_82] : memref<2x80xi32, #tpu.memory_space<vmem>> -> memref<1x80xi32, #tpu.memory_space<vmem>>
    %dma_start3A_84 = tpu.memref_squeeze %dma_start3A_83 : memref<1x80xi32, #tpu.memory_space<vmem>> -> memref<80xi32, #tpu.memory_space<vmem>>
    %dma_start3A_85 = arith.constant 0 : i32
    %dma_start3A_86 = arith.constant 0 : i32
    %dma_start3A_87 = tpu.memref_slice %arg5[%dma_start3A_85, %dma_start3A_86] : memref<10240x128xf32, #tpu.memory_space<vmem_shared>> -> memref<10240x128xf32, #tpu.memory_space<vmem_shared>>
    tpu.enqueue_indirect_dma source(%dma_start3A_81 : memref<80x128xf32, #tpu.memory_space<vmem>>) target(%dma_start3A_87 : memref<10240x128xf32, #tpu.memory_space<vmem_shared>>) offsets(%dma_start3A_84 : memref<80xi32, #tpu.memory_space<vmem>>) semaphore(%arg11 : memref<!tpu.dma_semaphore, #tpu.memory_space<semaphore_mem>>) {add = true}
    %scan3A_88 = arith.constant 0 : i32
    %scan3A_89 = arith.constant 65535 : i32
    %scan3A_90 = arith.constant 2 : i32
    %scan3A_91 = arith.constant 123 : i32
    %scan3A_92 = arith.addi %scan3A_90, %scan3A_91 : i32
    %scan3A_93 = arith.constant 1 : i32
    scf.for %scan3A_123 = %scan3A_90 to %scan3A_92 step %scan3A_93  : i32 {
      %rem3A = arith.constant 2 : i32
      %rem3A_124 = arith.remsi %scan3A_123, %rem3A : i32
      %dma_wait3A_125 = arith.constant 0 : i32
      %dma_wait3A_126 = arith.constant 0 : i32
      %dma_wait3A_127 = tpu.memref_slice %arg9[%rem3A_124, %dma_wait3A_125, %dma_wait3A_126] : memref<2x80x128xf32, #tpu.memory_space<vmem>> -> memref<1x80x128xf32, #tpu.memory_space<vmem>>
      %dma_wait3A_128 = tpu.memref_squeeze %dma_wait3A_127 : memref<1x80x128xf32, #tpu.memory_space<vmem>> -> memref<80x128xf32, #tpu.memory_space<vmem>>
      %dma_wait3A_129 = arith.constant 0 : i32
      %dma_wait3A_130 = tpu.memref_slice %arg8[%rem3A_124, %dma_wait3A_129] : memref<2x80xi32, #tpu.memory_space<vmem>> -> memref<1x80xi32, #tpu.memory_space<vmem>>
      %dma_wait3A_131 = tpu.memref_squeeze %dma_wait3A_130 : memref<1x80xi32, #tpu.memory_space<vmem>> -> memref<80xi32, #tpu.memory_space<vmem>>
      %dma_wait3A_132 = arith.constant 0 : i32
      %dma_wait3A_133 = arith.constant 0 : i32
      %dma_wait3A_134 = tpu.memref_slice %arg5[%dma_wait3A_132, %dma_wait3A_133] : memref<10240x128xf32, #tpu.memory_space<vmem_shared>> -> memref<10240x128xf32, #tpu.memory_space<vmem_shared>>
      tpu.wait_indirect_dma semaphore(%arg11 : memref<!tpu.dma_semaphore, #tpu.memory_space<semaphore_mem>>) src(%dma_wait3A_128 : memref<80x128xf32, #tpu.memory_space<vmem>>) dst(%dma_wait3A_134 : memref<10240x128xf32, #tpu.memory_space<vmem_shared>>)
      %mul3A_135 = arith.constant 80 : i32
      %mul3A_136 = arith.muli %scan3A_123, %mul3A_135 : i32
      %scan3A_137 = arith.constant 0 : i32
      %scan3A_138 = arith.constant 0 : i32
      %scan3A_139 = arith.constant 5 : i32
      %scan3A_140 = arith.addi %scan3A_138, %scan3A_139 : i32
      %scan3A_141 = arith.constant 1 : i32
      scf.for %scan3A_173 = %scan3A_138 to %scan3A_140 step %scan3A_141  : i32 {
        %mul3A_174 = arith.constant 16 : i32
        %mul3A_175 = arith.muli %scan3A_173, %mul3A_174 : i32
        %add3A_176 = arith.addi %mul3A_136, %mul3A_175 : i32
        %get3A = arith.index_cast %add3A_176 : i32 to index
        %get3A_177 = tpu.vector_load %arg6[%get3A] {strides = array<i32>} : memref<10000xi32, #tpu.memory_space<vmem>>, vector<16xi32>,
        %and3A = vector.broadcast %scan3A_89 : i32 to vector<16xi32>
        %and3A_178 = arith.andi %get3A_177, %and3A : vector<16xi32>
        %add3A_179 = vector.broadcast %mul3A_4 : i32 to vector<16xi32>
        %add3A_180 = arith.addi %and3A_178, %add3A_179 : vector<16xi32>
        %mul3A_181 = arith.constant 16 : i32
        %mul3A_182 = arith.muli %scan3A_173, %mul3A_181 : i32
        %swap3A = arith.index_cast %rem3A_124 : i32 to index
        %swap3A_183 = arith.index_cast %mul3A_182 : i32 to index
        %swap3A_184 = tpu.vector_load %arg7[%swap3A, %swap3A_183] {strides = array<i32>} : memref<2x80xi32, #tpu.memory_space<vmem>>, vector<16xi32>,
        tpu.vector_store %arg7[%swap3A, %swap3A_183], %add3A_180 {strides = array<i32>} : memref<2x80xi32, #tpu.memory_space<vmem>>, vector<16xi32>,
        %shift_right_logical3A = arith.constant 16 : i32
        %shift_right_logical3A_185 = vector.broadcast %shift_right_logical3A : i32 to vector<16xi32>
        %shift_right_logical3A_186 = arith.shrui %get3A_177, %shift_right_logical3A_185 : vector<16xi32>
        %mul3A_187 = arith.constant 16 : i32
        %mul3A_188 = arith.muli %scan3A_173, %mul3A_187 : i32
        %swap3A_189 = arith.index_cast %rem3A_124 : i32 to index
        %swap3A_190 = arith.index_cast %mul3A_188 : i32 to index
        %swap3A_191 = tpu.vector_load %arg8[%swap3A_189, %swap3A_190] {strides = array<i32>} : memref<2x80xi32, #tpu.memory_space<vmem>>, vector<16xi32>,
        tpu.vector_store %arg8[%swap3A_189, %swap3A_190], %shift_right_logical3A_186 {strides = array<i32>} : memref<2x80xi32, #tpu.memory_space<vmem>>, vector<16xi32>,
      }
      %scan3A_142 = arith.constant 5 : i32
      %dma_start3A_143 = arith.constant 0 : i32
      %dma_start3A_144 = arith.constant 0 : i32
      %dma_start3A_145 = tpu.memref_slice %arg9[%rem3A_124, %dma_start3A_143, %dma_start3A_144] : memref<2x80x128xf32, #tpu.memory_space<vmem>> -> memref<1x80x128xf32, #tpu.memory_space<vmem>>
      %dma_start3A_146 = tpu.memref_squeeze %dma_start3A_145 : memref<1x80x128xf32, #tpu.memory_space<vmem>> -> memref<80x128xf32, #tpu.memory_space<vmem>>
      %dma_start3A_147 = arith.constant 0 : i32
      %dma_start3A_148 = tpu.memref_slice %arg7[%rem3A_124, %dma_start3A_147] : memref<2x80xi32, #tpu.memory_space<vmem>> -> memref<1x80xi32, #tpu.memory_space<vmem>>
      %dma_start3A_149 = tpu.memref_squeeze %dma_start3A_148 : memref<1x80xi32, #tpu.memory_space<vmem>> -> memref<80xi32, #tpu.memory_space<vmem>>
      %dma_start3A_150 = arith.constant 0 : i32
      %dma_start3A_151 = arith.constant 0 : i32
      %dma_start3A_152 = tpu.memref_slice %arg2[%dma_start3A_150, %dma_start3A_151] : memref<20480x128xf32, #tpu.memory_space<hbm>> -> memref<20480x128xf32, #tpu.memory_space<hbm>>
      tpu.enqueue_indirect_dma source(%dma_start3A_152 : memref<20480x128xf32, #tpu.memory_space<hbm>>) target(%dma_start3A_146 : memref<80x128xf32, #tpu.memory_space<vmem>>) offsets(%dma_start3A_149 : memref<80xi32, #tpu.memory_space<vmem>>) semaphore(%arg10 : memref<!tpu.dma_semaphore, #tpu.memory_space<semaphore_mem>>)
      %dma_wait3A_153 = arith.constant 0 : i32
      %dma_wait3A_154 = arith.constant 0 : i32
      %dma_wait3A_155 = tpu.memref_slice %arg9[%rem3A_124, %dma_wait3A_153, %dma_wait3A_154] : memref<2x80x128xf32, #tpu.memory_space<vmem>> -> memref<1x80x128xf32, #tpu.memory_space<vmem>>
      %dma_wait3A_156 = tpu.memref_squeeze %dma_wait3A_155 : memref<1x80x128xf32, #tpu.memory_space<vmem>> -> memref<80x128xf32, #tpu.memory_space<vmem>>
      %dma_wait3A_157 = arith.constant 0 : i32
      %dma_wait3A_158 = tpu.memref_slice %arg7[%rem3A_124, %dma_wait3A_157] : memref<2x80xi32, #tpu.memory_space<vmem>> -> memref<1x80xi32, #tpu.memory_space<vmem>>
      %dma_wait3A_159 = tpu.memref_squeeze %dma_wait3A_158 : memref<1x80xi32, #tpu.memory_space<vmem>> -> memref<80xi32, #tpu.memory_space<vmem>>
      %dma_wait3A_160 = arith.constant 0 : i32
      %dma_wait3A_161 = arith.constant 0 : i32
      %dma_wait3A_162 = tpu.memref_slice %arg2[%dma_wait3A_160, %dma_wait3A_161] : memref<20480x128xf32, #tpu.memory_space<hbm>> -> memref<20480x128xf32, #tpu.memory_space<hbm>>
      tpu.wait_indirect_dma semaphore(%arg10 : memref<!tpu.dma_semaphore, #tpu.memory_space<semaphore_mem>>) src(%dma_wait3A_162 : memref<20480x128xf32, #tpu.memory_space<hbm>>) dst(%dma_wait3A_156 : memref<80x128xf32, #tpu.memory_space<vmem>>)
      %dma_start3A_163 = arith.constant 0 : i32
      %dma_start3A_164 = arith.constant 0 : i32
      %dma_start3A_165 = tpu.memref_slice %arg9[%rem3A_124, %dma_start3A_163, %dma_start3A_164] : memref<2x80x128xf32, #tpu.memory_space<vmem>> -> memref<1x80x128xf32, #tpu.memory_space<vmem>>
      %dma_start3A_166 = tpu.memref_squeeze %dma_start3A_165 : memref<1x80x128xf32, #tpu.memory_space<vmem>> -> memref<80x128xf32, #tpu.memory_space<vmem>>
      %dma_start3A_167 = arith.constant 0 : i32
      %dma_start3A_168 = tpu.memref_slice %arg8[%rem3A_124, %dma_start3A_167] : memref<2x80xi32, #tpu.memory_space<vmem>> -> memref<1x80xi32, #tpu.memory_space<vmem>>
      %dma_start3A_169 = tpu.memref_squeeze %dma_start3A_168 : memref<1x80xi32, #tpu.memory_space<vmem>> -> memref<80xi32, #tpu.memory_space<vmem>>
      %dma_start3A_170 = arith.constant 0 : i32
      %dma_start3A_171 = arith.constant 0 : i32
      %dma_start3A_172 = tpu.memref_slice %arg5[%dma_start3A_170, %dma_start3A_171] : memref<10240x128xf32, #tpu.memory_space<vmem_shared>> -> memref<10240x128xf32, #tpu.memory_space<vmem_shared>>
      tpu.enqueue_indirect_dma source(%dma_start3A_166 : memref<80x128xf32, #tpu.memory_space<vmem>>) target(%dma_start3A_172 : memref<10240x128xf32, #tpu.memory_space<vmem_shared>>) offsets(%dma_start3A_169 : memref<80xi32, #tpu.memory_space<vmem>>) semaphore(%arg11 : memref<!tpu.dma_semaphore, #tpu.memory_space<semaphore_mem>>) {add = true}
    }
    %scan3A_94 = arith.constant 123 : i32
    %dma_wait3A_95 = arith.constant 0 : i32
    %dma_wait3A_96 = arith.constant 0 : i32
    %dma_wait3A_97 = arith.constant 0 : i32
    %dma_wait3A_98 = arith.constant 0 : i32
    %dma_wait3A_99 = tpu.memref_slice %arg9[%dma_wait3A_95, %dma_wait3A_97, %dma_wait3A_98] : memref<2x80x128xf32, #tpu.memory_space<vmem>> -> memref<1x80x128xf32, #tpu.memory_space<vmem>>
    %dma_wait3A_100 = tpu.memref_squeeze %dma_wait3A_99 : memref<1x80x128xf32, #tpu.memory_space<vmem>> -> memref<80x128xf32, #tpu.memory_space<vmem>>
    %dma_wait3A_101 = arith.constant 0 : i32
    %dma_wait3A_102 = tpu.memref_slice %arg8[%dma_wait3A_96, %dma_wait3A_101] : memref<2x80xi32, #tpu.memory_space<vmem>> -> memref<1x80xi32, #tpu.memory_space<vmem>>
    %dma_wait3A_103 = tpu.memref_squeeze %dma_wait3A_102 : memref<1x80xi32, #tpu.memory_space<vmem>> -> memref<80xi32, #tpu.memory_space<vmem>>
    %dma_wait3A_104 = arith.constant 0 : i32
    %dma_wait3A_105 = arith.constant 0 : i32
    %dma_wait3A_106 = tpu.memref_slice %arg5[%dma_wait3A_104, %dma_wait3A_105] : memref<10240x128xf32, #tpu.memory_space<vmem_shared>> -> memref<10240x128xf32, #tpu.memory_space<vmem_shared>>
    tpu.wait_indirect_dma semaphore(%arg11 : memref<!tpu.dma_semaphore, #tpu.memory_space<semaphore_mem>>) src(%dma_wait3A_100 : memref<80x128xf32, #tpu.memory_space<vmem>>) dst(%dma_wait3A_106 : memref<10240x128xf32, #tpu.memory_space<vmem_shared>>)
    %dma_wait3A_107 = arith.constant 0 : i32
    %dma_wait3A_108 = arith.constant 0 : i32
    %dma_wait3A_109 = arith.constant 0 : i32
    %dma_wait3A_110 = arith.constant 0 : i32
    %dma_wait3A_111 = tpu.memref_slice %arg9[%dma_wait3A_107, %dma_wait3A_109, %dma_wait3A_110] : memref<2x80x128xf32, #tpu.memory_space<vmem>> -> memref<1x80x128xf32, #tpu.memory_space<vmem>>
    %dma_wait3A_112 = tpu.memref_squeeze %dma_wait3A_111 : memref<1x80x128xf32, #tpu.memory_space<vmem>> -> memref<80x128xf32, #tpu.memory_space<vmem>>
    %dma_wait3A_113 = arith.constant 0 : i32
    %dma_wait3A_114 = tpu.memref_slice %arg8[%dma_wait3A_108, %dma_wait3A_113] : memref<2x80xi32, #tpu.memory_space<vmem>> -> memref<1x80xi32, #tpu.memory_space<vmem>>
    %dma_wait3A_115 = tpu.memref_squeeze %dma_wait3A_114 : memref<1x80xi32, #tpu.memory_space<vmem>> -> memref<80xi32, #tpu.memory_space<vmem>>
    %dma_wait3A_116 = arith.constant 0 : i32
    %dma_wait3A_117 = arith.constant 0 : i32
    %dma_wait3A_118 = tpu.memref_slice %arg5[%dma_wait3A_116, %dma_wait3A_117] : memref<10240x128xf32, #tpu.memory_space<vmem_shared>> -> memref<10240x128xf32, #tpu.memory_space<vmem_shared>>
    tpu.wait_indirect_dma semaphore(%arg11 : memref<!tpu.dma_semaphore, #tpu.memory_space<semaphore_mem>>) src(%dma_wait3A_112 : memref<80x128xf32, #tpu.memory_space<vmem>>) dst(%dma_wait3A_118 : memref<10240x128xf32, #tpu.memory_space<vmem_shared>>)
    %barrier3A_119 = arith.constant 0 : index
    tpu.barrier barrier_id(%barrier3A_119)
    %mul3A_120 = arith.constant 10240 : i32
    %mul3A_121 = arith.muli %arg0, %mul3A_120 : i32
    %add3A_122 = arith.addi %mul3A_121, %mul3A_0 : i32
    "tpu.region"() ({
      %run_scoped3A = tpu.sem_alloc : memref<!tpu.dma_semaphore, #tpu.memory_space<semaphore_mem>>
      %dma_start3A_123 = arith.constant 0 : i32
      %dma_start3A_124 = tpu.memref_slice %arg4[%add3A_122, %dma_start3A_123] : memref<20480x128xf32, #tpu.memory_space<hbm>> -> memref<640x128xf32, #tpu.memory_space<hbm>>
      %dma_start3A_125 = arith.constant 0 : i32
      %dma_start3A_126 = tpu.memref_slice %arg5[%mul3A_0, %dma_start3A_125] : memref<10240x128xf32, #tpu.memory_space<vmem_shared>> -> memref<640x128xf32, #tpu.memory_space<vmem_shared>>
      tpu.enqueue_dma source(%dma_start3A_126 : memref<640x128xf32, #tpu.memory_space<vmem_shared>>) target(%dma_start3A_124 : memref<640x128xf32, #tpu.memory_space<hbm>>) target_semaphore(%run_scoped3A : memref<!tpu.dma_semaphore, #tpu.memory_space<semaphore_mem>>)
      %dma_wait3A_127 = arith.constant 0 : i32
      %dma_wait3A_128 = tpu.memref_slice %arg4[%add3A_122, %dma_wait3A_127] : memref<20480x128xf32, #tpu.memory_space<hbm>> -> memref<640x128xf32, #tpu.memory_space<hbm>>
      %dma_wait3A_129 = arith.constant 0 : i32
      %dma_wait3A_130 = tpu.memref_slice %arg5[%mul3A_0, %dma_wait3A_129] : memref<10240x128xf32, #tpu.memory_space<vmem_shared>> -> memref<640x128xf32, #tpu.memory_space<vmem_shared>>
      tpu.wait_dma2 semaphore(%run_scoped3A : memref<!tpu.dma_semaphore, #tpu.memory_space<semaphore_mem>>) src(%dma_wait3A_130 : memref<640x128xf32, #tpu.memory_space<vmem_shared>>) dst(%dma_wait3A_128 : memref<640x128xf32, #tpu.memory_space<hbm>>)
      tpu.yield
    }) : () -> ()
    return
  }
}

module attributes {stable_mosaic.version = 14 : i64} {
  func.func @_mm1_body(%arg0: i32, %arg1: memref<2000x256xf32, #tpu.memory_space<vmem>>, %arg2: memref<256x256xf32, #tpu.memory_space<vmem>>, %arg3: memref<2000x1xf32, #tpu.memory_space<vmem>>, %arg4: memref<2x2000x128xf32, #tpu.memory_space<vmem>>) attributes {dimension_semantics = [#tpu.dimension_semantics<arbitrary>], iteration_bounds = array<i64: 5>, scalar_prefetch = 0 : i64, scratch_operands = 0 : i64, tpu.core_type = #tpu.core_type<tc>, window_params = [{transform_indices = @transform_0, window_bounds = array<i64: 2000, 256>}, {pipeline_mode = #tpu.pipeline_mode<synchronous>, transform_indices = @transform_1, window_bounds = array<i64: 256, 256>}, {transform_indices = @transform_2, window_bounds = array<i64: 2000, 1>}, {transform_indices = @transform_3, window_bounds = array<i64: 2, 2000, 128>}]} {
    %get3A = arith.constant 0 : index
    %get3A_0 = arith.constant 0 : index
    %get3A_1 = vector.load %arg1[%get3A, %get3A_0] : memref<2000x256xf32, #tpu.memory_space<vmem>>, vector<2000x256xf32>
    %get3A_2 = arith.constant 0 : index
    %get3A_3 = arith.constant 0 : index
    %get3A_4 = vector.load %arg2[%get3A_2, %get3A_3] : memref<256x256xf32, #tpu.memory_space<vmem>>, vector<256x256xf32>
    %dot_general3A = arith.constant dense<0.000000e+00> : vector<2000x256xf32>
    %dot_general3A_5 = tpu.matmul %get3A_1, %get3A_4, %dot_general3A {dimension_numbers = #tpu.dot_dimension_numbers<[1], [0], [0], [1], [0, 0, 1, 1], [], []>, transpose_lhs_hint = false} : vector<2000x256xf32>, vector<256x256xf32>, vector<2000x256xf32> -> vector<2000x256xf32>
    %get3A_6 = arith.constant 0 : index
    %get3A_7 = arith.constant 0 : index
    %get3A_8 = vector.load %arg3[%get3A_6, %get3A_7] : memref<2000x1xf32, #tpu.memory_space<vmem>>, vector<2000x1xf32>
    %mul3A = vector.broadcast %get3A_8 : vector<2000x1xf32> to vector<2000x256xf32>
    %mul3A_9 = arith.mulf %dot_general3A_5, %mul3A : vector<2000x256xf32>
    %slice3A = vector.extract_strided_slice %mul3A_9 {offsets = [0, 0], sizes = [2000, 128], strides = [1, 1]} : vector<2000x256xf32> to vector<2000x128xf32>
    %swap3A = arith.constant 0 : index
    %swap3A_10 = arith.constant 0 : index
    %swap3A_11 = arith.constant 0 : index
    %swap3A_12 = vector.load %arg4[%swap3A, %swap3A_10, %swap3A_11] : memref<2x2000x128xf32, #tpu.memory_space<vmem>>, vector<1x2000x128xf32>
    %swap3A_13 = vector.shape_cast %swap3A_12 : vector<1x2000x128xf32> to vector<2000x128xf32>
    %swap3A_14 = vector.shape_cast %slice3A : vector<2000x128xf32> to vector<1x2000x128xf32>
    tpu.vector_store %arg4[%swap3A, %swap3A_10, %swap3A_11], %swap3A_14 {strides = array<i32>} : memref<2x2000x128xf32, #tpu.memory_space<vmem>>, vector<1x2000x128xf32>,
    %slice3A_15 = vector.extract_strided_slice %mul3A_9 {offsets = [0, 128], sizes = [2000, 128], strides = [1, 1]} : vector<2000x256xf32> to vector<2000x128xf32>
    %swap3A_16 = arith.constant 1 : index
    %swap3A_17 = arith.constant 0 : index
    %swap3A_18 = arith.constant 0 : index
    %swap3A_19 = vector.load %arg4[%swap3A_16, %swap3A_17, %swap3A_18] : memref<2x2000x128xf32, #tpu.memory_space<vmem>>, vector<1x2000x128xf32>
    %swap3A_20 = vector.shape_cast %swap3A_19 : vector<1x2000x128xf32> to vector<2000x128xf32>
    %swap3A_21 = vector.shape_cast %slice3A_15 : vector<2000x128xf32> to vector<1x2000x128xf32>
    tpu.vector_store %arg4[%swap3A_16, %swap3A_17, %swap3A_18], %swap3A_21 {strides = array<i32>} : memref<2x2000x128xf32, #tpu.memory_space<vmem>>, vector<1x2000x128xf32>,
    return
  }
  func.func @transform_0(%arg0: i32) -> (i32, i32) {
    %c0_i32 = arith.constant 0 : i32
    %c0_i32_0 = arith.constant 0 : i32
    return %arg0, %c0_i32 : i32, i32
  }
  func.func @transform_1(%arg0: i32) -> (i32, i32) {
    %c0_i32 = arith.constant 0 : i32
    %c0_i32_0 = arith.constant 0 : i32
    %c0_i32_1 = arith.constant 0 : i32
    return %c0_i32, %c0_i32_0 : i32, i32
  }
  func.func @transform_2(%arg0: i32) -> (i32, i32) {
    %c0_i32 = arith.constant 0 : i32
    %c0_i32_0 = arith.constant 0 : i32
    return %arg0, %c0_i32 : i32, i32
  }
  func.func @transform_3(%arg0: i32) -> (i32, i32, i32) {
    %c0_i32 = arith.constant 0 : i32
    %c0_i32_0 = arith.constant 0 : i32
    %c0_i32_1 = arith.constant 0 : i32
    return %c0_i32, %arg0, %c0_i32_0 : i32, i32, i32
  }
}

module attributes {stable_mosaic.version = 14 : i64} {
  func.func @_mm2_body(%arg0: i32, %arg1: memref<2x2000x128xf32, #tpu.memory_space<vmem>>, %arg2: memref<2000x1xf32, #tpu.memory_space<vmem>>, %arg3: memref<1x256xf32, #tpu.memory_space<vmem>>, %arg4: memref<256x256xf32, #tpu.memory_space<vmem>>, %arg5: memref<2x2000x128xf32, #tpu.memory_space<vmem>>) attributes {dimension_semantics = [#tpu.dimension_semantics<arbitrary>], iteration_bounds = array<i64: 5>, scalar_prefetch = 0 : i64, scratch_operands = 0 : i64, tpu.core_type = #tpu.core_type<tc>, window_params = [{transform_indices = @transform_0, window_bounds = array<i64: 2, 2000, 128>}, {transform_indices = @transform_1, window_bounds = array<i64: 2000, 1>}, {pipeline_mode = #tpu.pipeline_mode<synchronous>, transform_indices = @transform_2, window_bounds = array<i64: 1, 256>}, {pipeline_mode = #tpu.pipeline_mode<synchronous>, transform_indices = @transform_3, window_bounds = array<i64: 256, 256>}, {transform_indices = @transform_4, window_bounds = array<i64: 2, 2000, 128>}]} {
    %get3A = arith.constant 0 : index
    %get3A_0 = arith.constant 0 : index
    %get3A_1 = vector.load %arg2[%get3A, %get3A_0] : memref<2000x1xf32, #tpu.memory_space<vmem>>, vector<2000x1xf32>
    %get3A_2 = arith.constant 0 : index
    %get3A_3 = arith.constant 0 : index
    %get3A_4 = arith.constant 0 : index
    %get3A_5 = vector.load %arg1[%get3A_2, %get3A_3, %get3A_4] : memref<2x2000x128xf32, #tpu.memory_space<vmem>>, vector<1x2000x128xf32>
    %get3A_6 = vector.shape_cast %get3A_5 : vector<1x2000x128xf32> to vector<2000x128xf32>
    %mul3A = vector.broadcast %get3A_1 : vector<2000x1xf32> to vector<2000x128xf32>
    %mul3A_7 = arith.mulf %get3A_6, %mul3A : vector<2000x128xf32>
    %get3A_8 = arith.constant 0 : index
    %get3A_9 = arith.constant 0 : index
    %get3A_10 = vector.load %arg3[%get3A_8, %get3A_9] : memref<1x256xf32, #tpu.memory_space<vmem>>, vector<1x128xf32>
    %add3A = vector.broadcast %get3A_10 : vector<1x128xf32> to vector<2000x128xf32>
    %add3A_11 = arith.addf %mul3A_7, %add3A : vector<2000x128xf32>
    %get3A_12 = arith.constant 1 : index
    %get3A_13 = arith.constant 0 : index
    %get3A_14 = arith.constant 0 : index
    %get3A_15 = vector.load %arg1[%get3A_12, %get3A_13, %get3A_14] : memref<2x2000x128xf32, #tpu.memory_space<vmem>>, vector<1x2000x128xf32>
    %get3A_16 = vector.shape_cast %get3A_15 : vector<1x2000x128xf32> to vector<2000x128xf32>
    %mul3A_17 = vector.broadcast %get3A_1 : vector<2000x1xf32> to vector<2000x128xf32>
    %mul3A_18 = arith.mulf %get3A_16, %mul3A_17 : vector<2000x128xf32>
    %get3A_19 = arith.constant 0 : index
    %get3A_20 = arith.constant 128 : index
    %get3A_21 = vector.load %arg3[%get3A_19, %get3A_20] : memref<1x256xf32, #tpu.memory_space<vmem>>, vector<1x128xf32>
    %add3A_22 = vector.broadcast %get3A_21 : vector<1x128xf32> to vector<2000x128xf32>
    %add3A_23 = arith.addf %mul3A_18, %add3A_22 : vector<2000x128xf32>
    %ge3A = arith.constant 0.000000e+00 : f32
    %ge3A_24 = vector.broadcast %ge3A : f32 to vector<2000x128xf32>
    %ge3A_25 = arith.cmpf oge, %add3A_11, %ge3A_24 : vector<2000x128xf32>
    %mul3A_26 = arith.constant 0.00999999977 : f32
    %mul3A_27 = vector.broadcast %mul3A_26 : f32 to vector<2000x128xf32>
    %mul3A_28 = arith.mulf %add3A_11, %mul3A_27 : vector<2000x128xf32>
    %select_n3A = arith.select %ge3A_25, %add3A_11, %mul3A_28 : vector<2000x128xi1>, vector<2000x128xf32>
    %ge3A_29 = arith.constant 0.000000e+00 : f32
    %ge3A_30 = vector.broadcast %ge3A_29 : f32 to vector<2000x128xf32>
    %ge3A_31 = arith.cmpf oge, %add3A_23, %ge3A_30 : vector<2000x128xf32>
    %mul3A_32 = arith.constant 0.00999999977 : f32
    %mul3A_33 = vector.broadcast %mul3A_32 : f32 to vector<2000x128xf32>
    %mul3A_34 = arith.mulf %add3A_23, %mul3A_33 : vector<2000x128xf32>
    %select_n3A_35 = arith.select %ge3A_31, %add3A_23, %mul3A_34 : vector<2000x128xi1>, vector<2000x128xf32>
    %get3A_36 = arith.constant 0 : index
    %get3A_37 = arith.constant 0 : index
    %get3A_38 = vector.load %arg4[%get3A_36, %get3A_37] : memref<256x256xf32, #tpu.memory_space<vmem>>, vector<128x256xf32>
    %dot_general3A = arith.constant dense<0.000000e+00> : vector<2000x256xf32>
    %dot_general3A_39 = tpu.matmul %select_n3A, %get3A_38, %dot_general3A {dimension_numbers = #tpu.dot_dimension_numbers<[1], [0], [0], [1], [0, 0, 1, 1], [], []>, transpose_lhs_hint = false} : vector<2000x128xf32>, vector<128x256xf32>, vector<2000x256xf32> -> vector<2000x256xf32>
    %get3A_40 = arith.constant 128 : index
    %get3A_41 = arith.constant 0 : index
    %get3A_42 = vector.load %arg4[%get3A_40, %get3A_41] : memref<256x256xf32, #tpu.memory_space<vmem>>, vector<128x256xf32>
    %dot_general3A_43 = arith.constant dense<0.000000e+00> : vector<2000x256xf32>
    %dot_general3A_44 = tpu.matmul %select_n3A_35, %get3A_42, %dot_general3A_43 {dimension_numbers = #tpu.dot_dimension_numbers<[1], [0], [0], [1], [0, 0, 1, 1], [], []>, transpose_lhs_hint = false} : vector<2000x128xf32>, vector<128x256xf32>, vector<2000x256xf32> -> vector<2000x256xf32>
    %add3A_45 = arith.addf %dot_general3A_39, %dot_general3A_44 : vector<2000x256xf32>
    %mul3A_46 = vector.broadcast %get3A_1 : vector<2000x1xf32> to vector<2000x256xf32>
    %mul3A_47 = arith.mulf %add3A_45, %mul3A_46 : vector<2000x256xf32>
    %slice3A = vector.extract_strided_slice %mul3A_47 {offsets = [0, 0], sizes = [2000, 128], strides = [1, 1]} : vector<2000x256xf32> to vector<2000x128xf32>
    %swap3A = arith.constant 0 : index
    %swap3A_48 = arith.constant 0 : index
    %swap3A_49 = arith.constant 0 : index
    %swap3A_50 = vector.load %arg5[%swap3A, %swap3A_48, %swap3A_49] : memref<2x2000x128xf32, #tpu.memory_space<vmem>>, vector<1x2000x128xf32>
    %swap3A_51 = vector.shape_cast %swap3A_50 : vector<1x2000x128xf32> to vector<2000x128xf32>
    %swap3A_52 = vector.shape_cast %slice3A : vector<2000x128xf32> to vector<1x2000x128xf32>
    tpu.vector_store %arg5[%swap3A, %swap3A_48, %swap3A_49], %swap3A_52 {strides = array<i32>} : memref<2x2000x128xf32, #tpu.memory_space<vmem>>, vector<1x2000x128xf32>,
    %slice3A_53 = vector.extract_strided_slice %mul3A_47 {offsets = [0, 128], sizes = [2000, 128], strides = [1, 1]} : vector<2000x256xf32> to vector<2000x128xf32>
    %swap3A_54 = arith.constant 1 : index
    %swap3A_55 = arith.constant 0 : index
    %swap3A_56 = arith.constant 0 : index
    %swap3A_57 = vector.load %arg5[%swap3A_54, %swap3A_55, %swap3A_56] : memref<2x2000x128xf32, #tpu.memory_space<vmem>>, vector<1x2000x128xf32>
    %swap3A_58 = vector.shape_cast %swap3A_57 : vector<1x2000x128xf32> to vector<2000x128xf32>
    %swap3A_59 = vector.shape_cast %slice3A_53 : vector<2000x128xf32> to vector<1x2000x128xf32>
    tpu.vector_store %arg5[%swap3A_54, %swap3A_55, %swap3A_56], %swap3A_59 {strides = array<i32>} : memref<2x2000x128xf32, #tpu.memory_space<vmem>>, vector<1x2000x128xf32>,
    return
  }
  func.func @transform_0(%arg0: i32) -> (i32, i32, i32) {
    %c0_i32 = arith.constant 0 : i32
    %c0_i32_0 = arith.constant 0 : i32
    %c0_i32_1 = arith.constant 0 : i32
    return %c0_i32, %arg0, %c0_i32_0 : i32, i32, i32
  }
  func.func @transform_1(%arg0: i32) -> (i32, i32) {
    %c0_i32 = arith.constant 0 : i32
    %c0_i32_0 = arith.constant 0 : i32
    return %arg0, %c0_i32 : i32, i32
  }
  func.func @transform_2(%arg0: i32) -> (i32, i32) {
    %c0_i32 = arith.constant 0 : i32
    %c0_i32_0 = arith.constant 0 : i32
    %c0_i32_1 = arith.constant 0 : i32
    return %c0_i32, %c0_i32_0 : i32, i32
  }
  func.func @transform_3(%arg0: i32) -> (i32, i32) {
    %c0_i32 = arith.constant 0 : i32
    %c0_i32_0 = arith.constant 0 : i32
    %c0_i32_1 = arith.constant 0 : i32
    return %c0_i32, %c0_i32_0 : i32, i32
  }
  func.func @transform_4(%arg0: i32) -> (i32, i32, i32) {
    %c0_i32 = arith.constant 0 : i32
    %c0_i32_0 = arith.constant 0 : i32
    %c0_i32_1 = arith.constant 0 : i32
    return %c0_i32, %arg0, %c0_i32_0 : i32, i32, i32
  }
}

module attributes {stable_mosaic.version = 14 : i64} {
  func.func @_final_body(%arg0: i32, %arg1: memref<2x2000x128xf32, #tpu.memory_space<vmem>>, %arg2: memref<2000x1xf32, #tpu.memory_space<vmem>>, %arg3: memref<1x256xf32, #tpu.memory_space<vmem>>, %arg4: memref<2000x256xf32, #tpu.memory_space<vmem>>) attributes {dimension_semantics = [#tpu.dimension_semantics<arbitrary>], iteration_bounds = array<i64: 5>, scalar_prefetch = 0 : i64, scratch_operands = 0 : i64, tpu.core_type = #tpu.core_type<tc>, window_params = [{transform_indices = @transform_0, window_bounds = array<i64: 2, 2000, 128>}, {transform_indices = @transform_1, window_bounds = array<i64: 2000, 1>}, {pipeline_mode = #tpu.pipeline_mode<synchronous>, transform_indices = @transform_2, window_bounds = array<i64: 1, 256>}, {transform_indices = @transform_3, window_bounds = array<i64: 2000, 256>}]} {
    %get3A = arith.constant 0 : index
    %get3A_0 = arith.constant 0 : index
    %get3A_1 = vector.load %arg2[%get3A, %get3A_0] : memref<2000x1xf32, #tpu.memory_space<vmem>>, vector<2000x1xf32>
    %get3A_2 = arith.constant 0 : index
    %get3A_3 = arith.constant 0 : index
    %get3A_4 = arith.constant 0 : index
    %get3A_5 = vector.load %arg1[%get3A_2, %get3A_3, %get3A_4] : memref<2x2000x128xf32, #tpu.memory_space<vmem>>, vector<1x2000x128xf32>
    %get3A_6 = vector.shape_cast %get3A_5 : vector<1x2000x128xf32> to vector<2000x128xf32>
    %mul3A = vector.broadcast %get3A_1 : vector<2000x1xf32> to vector<2000x128xf32>
    %mul3A_7 = arith.mulf %get3A_6, %mul3A : vector<2000x128xf32>
    %get3A_8 = arith.constant 0 : index
    %get3A_9 = arith.constant 0 : index
    %get3A_10 = vector.load %arg3[%get3A_8, %get3A_9] : memref<1x256xf32, #tpu.memory_space<vmem>>, vector<1x128xf32>
    %add3A = vector.broadcast %get3A_10 : vector<1x128xf32> to vector<2000x128xf32>
    %add3A_11 = arith.addf %mul3A_7, %add3A : vector<2000x128xf32>
    %swap3A = arith.constant 0 : index
    %swap3A_12 = arith.constant 0 : index
    %swap3A_13 = vector.load %arg4[%swap3A, %swap3A_12] : memref<2000x256xf32, #tpu.memory_space<vmem>>, vector<2000x128xf32>
    tpu.vector_store %arg4[%swap3A, %swap3A_12], %add3A_11 {strides = array<i32>} : memref<2000x256xf32, #tpu.memory_space<vmem>>, vector<2000x128xf32>,
    %get3A_14 = arith.constant 1 : index
    %get3A_15 = arith.constant 0 : index
    %get3A_16 = arith.constant 0 : index
    %get3A_17 = vector.load %arg1[%get3A_14, %get3A_15, %get3A_16] : memref<2x2000x128xf32, #tpu.memory_space<vmem>>, vector<1x2000x128xf32>
    %get3A_18 = vector.shape_cast %get3A_17 : vector<1x2000x128xf32> to vector<2000x128xf32>
    %mul3A_19 = vector.broadcast %get3A_1 : vector<2000x1xf32> to vector<2000x128xf32>
    %mul3A_20 = arith.mulf %get3A_18, %mul3A_19 : vector<2000x128xf32>
    %get3A_21 = arith.constant 0 : index
    %get3A_22 = arith.constant 128 : index
    %get3A_23 = vector.load %arg3[%get3A_21, %get3A_22] : memref<1x256xf32, #tpu.memory_space<vmem>>, vector<1x128xf32>
    %add3A_24 = vector.broadcast %get3A_23 : vector<1x128xf32> to vector<2000x128xf32>
    %add3A_25 = arith.addf %mul3A_20, %add3A_24 : vector<2000x128xf32>
    %swap3A_26 = arith.constant 0 : index
    %swap3A_27 = arith.constant 128 : index
    %swap3A_28 = vector.load %arg4[%swap3A_26, %swap3A_27] : memref<2000x256xf32, #tpu.memory_space<vmem>>, vector<2000x128xf32>
    tpu.vector_store %arg4[%swap3A_26, %swap3A_27], %add3A_25 {strides = array<i32>} : memref<2000x256xf32, #tpu.memory_space<vmem>>, vector<2000x128xf32>,
    return
  }
  func.func @transform_0(%arg0: i32) -> (i32, i32, i32) {
    %c0_i32 = arith.constant 0 : i32
    %c0_i32_0 = arith.constant 0 : i32
    %c0_i32_1 = arith.constant 0 : i32
    return %c0_i32, %arg0, %c0_i32_0 : i32, i32, i32
  }
  func.func @transform_1(%arg0: i32) -> (i32, i32) {
    %c0_i32 = arith.constant 0 : i32
    %c0_i32_0 = arith.constant 0 : i32
    return %arg0, %c0_i32 : i32, i32
  }
  func.func @transform_2(%arg0: i32) -> (i32, i32) {
    %c0_i32 = arith.constant 0 : i32
    %c0_i32_0 = arith.constant 0 : i32
    %c0_i32_1 = arith.constant 0 : i32
    return %c0_i32, %c0_i32_0 : i32, i32
  }
  func.func @transform_3(%arg0: i32) -> (i32, i32) {
    %c0_i32 = arith.constant 0 : i32
    %c0_i32_0 = arith.constant 0 : i32
    return %arg0, %c0_i32 : i32, i32
  }
}

</mosaic_0001>

<sc_bundles>
// kernel: kernel.11.cloned.1.call-start
scs
__scs_entry_jumppad:
0x0: {  	(pc) =	sbr.rel $0x88, $3  }
0x1: {  	(tag) =	ssettag $0x0;
	lr =	simm.s32 $0x1  }
0x2: {  	[smem:$0x3F9B] =	sst lr;
	_ =	strace $0xD0000000  }
0x3: {  	_ = 	snop  }
0x4: {  	_ = 	snop  }
0x5: {  	_ = 	snop  }
0x6: {  	_ = 	snop  }
0x7: {  	_ = 	snop  }
__scs_overlays_trampoline_lowered:
0x8: {  	[smem:$0x3FAA] =	sst s0  }
0x9: {  	[smem:$0x3FAB] =	sst s1  }
0xa: {  	[smem:$0x3FAC] =	sst s2  }
0xb: {  	[smem:$0x3FAD] =	sst s3  }
0xc: {  	[smem:$0x3FAE] =	sst s4  }
0xd: {  	[smem:$0x3FAF] =	sst s5  }
0xe: {  	[smem:$0x3FB0] =	sst s6  }
0xf: {  	[smem:$0x3FB1] =	sst s7  }
0x10: {  	[smem:$0x3FB2] =	sst s8  }
0x11: {  	[smem:$0x3FB3] =	sst s9;
	s0 =	simm.s32 @!p0 $0x0  }
0x12: {  	s1 =	sld [smem:$0x3F99];
	s0 =	simm.s32 @p0 $0x1  }
0x13: {  	[smem:$0x3FB4] =	sst s0;
	s0 =	simm.s32 @!p1 $0x0  }
0x14: {  	s2 =	sld [smem:$0x3F98];
	s0 =	simm.s32 @p1 $0x1  }
0x15: {  	[smem:$0x3FB5] =	sst s0;
	s0 =	simm.s32 @!p2 $0x0  }
0x16: {  	s3 =	sld [smem:$0x3FDB];
	s0 =	simm.s32 @p2 $0x1  }
0x17: {  	s4 =	simm.s32 $0x1BF5;
	[smem:$0x3FB7] =	sst s0  }
0x18: {  	s0 =	sld [smem:$0x3F9A];
	_ =	swait.ge [sflag:s4], $0x0  }
0x19: {  	s7 =	sld [smem:$0x3F9B]  }
0x1a: {  	s8 =	sadd.s32 $0xFFFFE003, lr  }
0x1b: {  	s9 =	sadd.s32 $0xFFFFFEF7, lr;
	s5 =	simm.s32 $0xFFFFFFFF;
	p2 =	slt.u32 s8, $0xFFFFF086  }
0x1c: {  	p1 =	slt.u32 s9, $0xF7A;
	s5 =	simm.s32 @!p2 $0x0  }
0x1d: {  	s5 =	simm.s32 @p1 $0x1;
	p0 =	seq.s32 s7, s2  }
0x1e: {  	s7 =	smul.u32 @!p0 $0xF7A, s2;
	p2 =	seq.s32 @!p0 s5, $0x0  }
0x1f: {  	s9 =	smul.u32 $0xF7A, s1;
	s8 =	simm.s32 @!p0 $0x1BF5;
	p2 =	por !p2, p0  }
0x20: {  	[sflag:s8] =	ssyncset.s32 @!p0 $0xFFFFF086;
	s6 =	sadd.s32 @!p0 s3, s7;
	s7 =	simm.s32 @!p0 $0x108  }
0x21: {  	s3 =	sadd.s32 s3, s9;
	s6 =	sadd.s32 @!p0 $0x88, s6;
	s7 =	simm.s32 @p2 $0x1082  }
0x22: {  	[simem:s7], [sflag:s8] =	dma.local @!p0 [hbm:s6], $0xF7A  }
0x23: {  	s9 =	sor.u32 $0xD0000000, s2;
	s6 =	simm.s32 $0x108;
	_ =	swait.ge @!p0 [sflag:s8], $0x0  }
0x24: {  	s3 =	sadd.s32 $0x88, s3;
	s6 =	simm.s32 @!p1 $0x1082;
	[sflag:s4] =	ssyncset.s32 $0xFFFFF086  }
0x25: {  	[simem:s6], [sflag:s4] =	dma.local [hbm:s3], $0xF7A  }
0x26: {  	[smem:$0x3F9B] =	sst s1;
	(tag) =	ssettag s2;
	_ =	strace s9  }
0x27: {  	s1 =	sld [smem:$0x3FAB]  }
0x28: {  	s2 =	sld [smem:$0x3FAC]  }
0x29: {  	s4 =	sld [smem:$0x3FAE]  }
0x2a: {  	p0 =	seq.s32 s5, $0x0;
	s5 =	sld [smem:$0x3FAF]  }
0x2b: {  	s6 =	sld [smem:$0x3FB0]  }
0x2c: {  	s7 =	sld [smem:$0x3FB1]  }
0x2d: {  	s3 =	simm.s32 $0x108;
	s8 =	sld [smem:$0x3FB2]  }
0x2e: {  	s3 =	simm.s32 @!p0 $0x1082;
	s9 =	sld [smem:$0x3FB3]  }
0x2f: {  	lr =	sadd.s32 s0, s3;
	s0 =	sld [smem:$0x3FAA]  }
0x30: {  	s3 =	sld [smem:$0x3FAD]  }
0x31: {  	[smem:$0x3FB6] =	sst s10  }
0x32: {  	s10 =	sld [smem:$0x3FB4];
	_ =	sdelay $0x3  }
0x33: {  	p0 =	seq.s32 s10, $0x1;
	s10 =	sld [smem:$0x3FB6];
	_ =	sdelay $0x3  }
0x34: {  	[smem:$0x3FB6] =	sst s10  }
0x35: {  	s10 =	sld [smem:$0x3FB5];
	_ =	sdelay $0x3  }
0x36: {  	p1 =	seq.s32 s10, $0x1;
	s10 =	sld [smem:$0x3FB6];
	_ =	sdelay $0x3  }
0x37: {  	[smem:$0x3FB6] =	sst s10  }
0x38: {  	s10 =	sld [smem:$0x3FB7]  }
0x39: {  	_ = 	snop;
	(pc) =	sbr.ind lr, $3  }
0x3a: {  	_ = 	snop  }
0x3b: {  	_ = 	snop  }
0x3c: {  	p2 =	seq.s32 s10, $0x1;
	s10 =	sld [smem:$0x3FB6]  }
0x3d: {  	_ =	shalt  }
0x3e: {  	_ =	shalt  }
0x3f: {  	_ =	shalt  }
0x40: {  	_ =	shalt  }
0x41: {  	_ =	shalt  }
0x42: {  	_ =	shalt  }
0x43: {  	_ =	shalt  }
0x44: {  	_ =	shalt  }
0x45: {  	_ =	shalt  }
0x46: {  	_ =	shalt  }
0x47: {  	_ =	shalt  }
0x48: {  	_ =	shalt  }
0x49: {  	_ =	shalt  }
0x4a: {  	_ =	shalt  }
0x4b: {  	_ =	shalt  }
0x4c: {  	_ =	shalt  }
0x4d: {  	_ =	shalt  }
0x4e: {  	_ =	shalt  }
0x4f: {  	_ =	shalt  }
0x50: {  	_ =	shalt  }
0x51: {  	_ =	shalt  }
0x52: {  	_ =	shalt  }
0x53: {  	_ =	shalt  }
0x54: {  	_ =	shalt  }
0x55: {  	_ =	shalt  }
0x56: {  	_ =	shalt  }
0x57: {  	_ =	shalt  }
0x58: {  	_ =	shalt  }
0x59: {  	_ =	shalt  }
0x5a: {  	_ =	shalt  }
0x5b: {  	_ =	shalt  }
0x5c: {  	_ =	shalt  }
0x5d: {  	_ =	shalt  }
0x5e: {  	_ =	shalt  }
0x5f: {  	_ =	shalt  }
0x60: {  	_ =	shalt  }
0x61: {  	_ =	shalt  }
0x62: {  	_ =	shalt  }
0x63: {  	_ =	shalt  }
0x64: {  	_ =	shalt  }
0x65: {  	_ =	shalt  }
0x66: {  	_ =	shalt  }
0x67: {  	_ =	shalt  }
0x68: {  	_ =	shalt  }
0x69: {  	_ =	shalt  }
0x6a: {  	_ =	shalt  }
0x6b: {  	_ =	shalt  }
0x6c: {  	_ =	shalt  }
0x6d: {  	_ =	shalt  }
0x6e: {  	_ =	shalt  }
0x6f: {  	_ =	shalt  }
0x70: {  	_ =	shalt  }
0x71: {  	_ =	shalt  }
0x72: {  	_ =	shalt  }
0x73: {  	_ =	shalt  }
0x74: {  	_ =	shalt  }
0x75: {  	_ =	shalt  }
0x76: {  	_ =	shalt  }
0x77: {  	_ =	shalt  }
0x78: {  	_ =	shalt  }
0x79: {  	_ =	shalt  }
0x7a: {  	_ =	shalt  }
0x7b: {  	_ =	shalt  }
0x7c: {  	_ =	shalt  }
0x7d: {  	_ =	shalt  }
0x7e: {  	_ =	shalt  }
0x7f: {  	_ =	shalt  }
0x80: {  	_ =	shalt  }
0x81: {  	_ =	shalt  }
0x82: {  	_ =	shalt  }
0x83: {  	_ =	shalt  }
0x84: {  	_ =	shalt  }
0x85: {  	_ =	shalt  }
0x86: {  	_ =	shalt  }
0x87: {  	_ =	shalt  }
.Lfunc_end0:
.L_simem_size_0:
called_computation.1_lowered:
.L_overlay_start_0:
0x88: {  	s2 =	sld [smem:$0x3FD9]  }
0x89: {  	s3 =	sld [smem:$0x3FFE];
	_ =	sdelay $0x1  }
0x8a: {  	s1 =	srdreg.scid  }
0x8b: {  	s0 =	sand.u32 $0x1, s1  }
0x8c: {  	s17 =	sshll.u32 s0, $0xA;
	s2 =	sadd.s32 s3, s2  }
0x8d: {  	s2 =	sadd.s32 s2, s17  }
0x8e: {  	[smem:$0x3FC2] =	sst s2  }
0x8f: {  	_ = 	snop  }
0x90: {  	s2 =	sld [smem:$0x3FD0];
	(tm) =	ssettm $0x1  }
0x91: {  	s18 =	sld [smem:$0x3FFB];
	_ =	sdelay $0x3  }
0x92: {  	_ =	strace s18  }
0x93: {  	s3 =	sld [smem:$0x3FFC];
	_ =	sdelay $0x3  }
0x94: {  	_ =	strace s3  }
0x95: {  	s3 =	sld [smem:$0x3FFD];
	_ =	sdelay $0x3  }
0x96: {  	_ =	strace s3  }
0x97: {  	_ =	strace $0x8FFFFFFF  }
0x98: {  	s19 =	sld [smem:$0x3FDB];
	_ =	sdelay $0x1  }
0x99: {  	s4 =	simm.s32 $_scs_section_size  }
0x9a: {  	s5 =	simm.s32 $_size__tile_overlayer_lowered;
	s6 =	simm.s32 $_tile_overlayer_lowered  }
0x9b: {  	s22 =	simm.s32 $0x1BFF;
	s21 =	sshll.u32 s6, $0x1;
	s3 =	sadd.s32 s4, s19  }
0x9c: {  	s7 =	simm.s32 $0x0;
	s20 =	sshll.u32 s5, $0x1;
	s5 =	sadd.s32 s21, s3  }
0x9d: {  	[timem:s7], [sflag:s22] =	dma.local [hbm:s5], s20  }
0x9e: {  	_ =	swait.ge [sflag:s22], s20  }
0x9f: {  	s4 =	ssub.s32 $0x0, s20;
	[sflag:s22] =	ssyncset.done $0x0  }
0xa0: {  	[sflag:s22] =	ssyncadd.s32 s4;
	_ =	sdelay $0x1  }
0xa1: {  	s23 =	simm.s32 $0x1B8B  }
0xa2: {  	_ =	swait.ge [sflag:s23], $0x1  }
0xa3: {  	[sflag:s23] =	ssyncset.done $0x0  }
0xa4: {  	s25 =	simm.s32 $0x1B8E;
	s24 =	sld [smem:$0x3FFE];
	[sflag:s23] =	ssyncadd.s32 $0xFFFFFFFF  }
0xa5: {  	s26 =	simm.s32 $execute0_lowered;
	[smem:$0x3FD2] =	sst s25  }
0xa6: {  	s5 =	sshll.u32 s26, $0x1;
	_ =	strace $0x80000049;
	[dreg:$0x1] =	wrdreg $0xFFFFFFFF  }
0xa7: {  	s28 =	simm.s32 $_size_execute0_lowered;
	s3 =	sadd.s32 s3, s5;
	[dreg:$0x0] =	wrdreg $0x0  }
0xa8: {  	s5 =	sshll.u32 s28, $0x1;
	[dreg:$0x2] =	wrdreg s3  }
0xa9: {  	[dreg:$0x3] =	wrdreg s5  }
0xaa: {  	[dreg:$0x4] =	wrdreg $0xC0  }
0xab: {  	_ =	task [dreg:s7], $0x5FFFF  }
0xac: {  	[dreg:$0x1] =	wrdreg $0xFFFFFFFF  }
0xad: {  	[dreg:$0x0] =	wrdreg $0x60  }
0xae: {  	[dreg:$0x2] =	wrdreg s24  }
0xaf: {  	[dreg:$0x3] =	wrdreg s2  }
0xb0: {  	[dreg:$0x4] =	wrdreg $0x0  }
0xb1: {  	[dreg:$0x5] =	wrdreg $0x9  }
0xb2: {  	_ =	task.clear_ibuf [dreg:s7], $0x6FFFF;
	_ =	strace $0x90000049  }
0xb3: {  	s29 =	simm.s32 $0x9;
	_ =	strace $0x8000004B  }
0xb4: {  	_ =	swait.ge [sflag:s29], $0x1  }
0xb5: {  	[sflag:s29] =	ssyncadd.s32 $0xFFFFFFFF  }
0xb6: {  	_ =	strace $0x9000004B  }
0xb7: {  	_ =	sfence  }
0xb8: {  	s30 =	sld [smem:$0x0];
	_ =	sdelay $0x2  }
0xb9: {  	s31 =	sshll.u32 s1, $0xD;
	s1 =	sshrl.u32 s1, $0x2  }
0xba: {  	s3 =	sand.u32 $0x4000, s31;
	s1 =	sadd.s32 s1, s30  }
0xbb: {  	s0 =	sor.u32 s3, s0;
	s1 =	sshll.u32 s1, $0x11  }
0xbc: {  	s0 =	sor.u32 s1, s0  }
0xbd: {  	s0 =	sadd.s32 $0x8F2B, s0  }
0xbe: {  	[sflag:s0] =	ssyncadd.remote.s32 $0x1  }
0xbf: {  	_ =	sfence.sel $0xFFFF  }
0xc0: {  	[dreg:$0x0] =	wrdreg $0xFFFFFFFF;
	(pc) =	sbr.abs _section_cstart, $3  }
0xc1: {  	[dreg:$0x1] =	wrdreg $0xFFFFFFFF  }
0xc2: {  	_ =	task.clear_ibuf [dreg:s7], $0x2FFFF;
	_ =	strace $0x9FFFFFFF  }
0xc3: {  	(tm) =	ssettm $0x7FFFFFFF  }
tec
execute0_lowered:
.L_overlay_start_1:
0x0: {  	(tag) =	ssettag $0x1  }
0x1: {  	s5 =	rddreg [dreg:$0x0]  }
0x2: {  	s7 =	rddreg [dreg:$0x1]  }
0x3: {  	s2 =	rddreg [dreg:$0x2]  }
0x4: {  	s0 =	srdreg.scid;
	s1 =	rddreg [dreg:$0x3];
	s3 =	simm.s32 $0x0  }
0x5: {  	s14 =	simm.s32 $0x14000;
	s15 =	simm.s32 $0x50;
	s16 =	simm.s32 $0x16780  }
0x6: {  	s17 =	simm.s32 $0x16980;
	s18 =	simm.s32 $0x16800;
	s19 =	simm.s32 $0x19180  }
0x7: {  	s20 =	simm.s32 $0x1;
	s6 =	sand.u32 $0x1, s0;
	s0 =	stileid.u32  }
0x8: {  	s22 =	simm.s32 $0x16900;
	[smem:$0x7FF] =	sst s3;
	s21 =	smul.u32 $0x2800, s6  }
0x9: {  	s23 =	simm.s32 $0x2;
	s4 =	smul.u32 $0x280, s0;
	_ =	strace $0x8000004A  }
0xa: {  	s29 =	smul.u32 $0x50000, s0;
	s10 =	sshrl.u32 s0, $0x3;
	s6 =	ssub.s32 $0x2, s6  }
0xb: {  	s11 =	sshll.u32 s0, $0x7;
	s31 =	sshll.u32 s0, $0x6;
	s10 =	smul.u32 $0x13C00, s10  }
0xc: {  	s12 =	sshrl.u32 s6, $0x1;
	s11 =	sand.u32 $0x380, s11;
	s8 =	sadd.s32 s4, s21  }
0xd: {  	s4 =	sadd.s32 $0x1200, s5;
	s12 =	ssub.s32 s6, s12;
	s6 =	sor.u32 $0x1C03, s31  }
0xe: {  	v0 =	vmov s21;
	s21 =	simm.s32 $0x16880;
	s8 =	sshll.u32 s8, $0x4;
	s30 =	sor.u32 s11, s10  }
0xf: {  	s11 =	simm.s32 $0x3;
	s9 =	sadd.s32 s8, s5;
	s5 =	sshrl.u32 s29, $0x2  }
0x10: {  	s10 =	sshrl.u32 s30, $0x3;
	s13 =	sadd.s32 s5, s2;
	s5 =	sadd.s32 s4, s8  }
0x11: {  	s7 =	sadd.s32 s7, s10;
	s8 =	sadd.s32 $0x51200, s9;
	s9 =	smax.u32 s12, $0x1  }
0x12: {  	s12 =	simm.s32 $0x80;
	s10 =	sshrl.u32 s13, $0x3;
	s13 =	simm.s32 $0x400  }
.LBB2_1:
0x13: {  	[spmem:s10], [sflag:s6] =	dma.local [hbm:s5], $0x2800  }
0x14: {  	_ =	swait.ge [sflag:s11], $0x2800  }
0x15: {  	[sflag:s11] =	ssyncset.done $0x0  }
0x16: {  	[sflag:s11] =	ssyncadd.s32 $0xFFFFD800  }
0x17: {  	[tilespmem:s14], [sflag:$0x3] =	stream.strided.gather [hbm4b:s7+s12], $0x2780, s13, s12, $0x38;
	[tilespmem:$0x1B980] =	vst v63  }
0x18: {  	_ =	swait.ge [sflag:s11], $0x2780  }
0x19: {  	[sflag:s11] =	ssyncset.done $0x0  }
0x1a: {  	[sflag:s11] =	ssyncadd.s32 $0xFFFFD880  }
0x1b: {  	[bflag:$0x0] =	sbarrier.arrive $0xFFFF  }
0x1c: {  	v1 =	vld [tilespmem:$0x14000]  }
0x1d: {  	v2 =	vld [tilespmem:$0x14010];
	_ =	sdelay $0x1  }
0x1e: {  	v3 =	vld [tilespmem:$0x14020];
	_ =	sdelay $0x1  }
0x1f: {  	v5 =	vld [tilespmem:$0x14030];
	v4 =	vand.u32 $0xFFFF, v1;
	v1 =	vshrl.u32 v1, $0x10  }
0x20: {  	v58 =	vand.u32 $0xFFFF, v2;
	v4 =	vadd.s32 v0, v4;
	[tilespmem:$0x16880] =	vst v1  }
0x21: {  	v59 =	vld [tilespmem:$0x14040];
	v1 =	vadd.s32 v0, v58;
	[tilespmem:$0x16780] =	vst v4  }
0x22: {  	[tilespmem:$0x16790] =	vst v1;
	v1 =	vshrl.u32 v2, $0x10;
	v2 =	vand.u32 $0xFFFF, v3  }
0x23: {  	[tilespmem:$0x16890] =	vst v1;
	v1 =	vadd.s32 v0, v2  }
0x24: {  	v2 =	vand.u32 $0xFFFF, v5;
	[tilespmem:$0x167A0] =	vst v1;
	v1 =	vshrl.u32 v3, $0x10  }
0x25: {  	[tilespmem:$0x168A0] =	vst v1;
	v1 =	vadd.s32 v0, v2  }
0x26: {  	v2 =	vand.u32 $0xFFFF, v59;
	[tilespmem:$0x167B0] =	vst v1;
	v1 =	vshrl.u32 v5, $0x10  }
0x27: {  	[tilespmem:$0x168B0] =	vst v1;
	v1 =	vadd.s32 v0, v2  }
0x28: {  	[tilespmem:$0x167C0] =	vst v1;
	v1 =	vshrl.u32 v59, $0x10  }
0x29: {  	[tilespmem:$0x168C0] =	vst v1  }
0x2a: {  	[tilespmem:s17], [sflag:$0x1] =	stream.indirect.gather [hbm4b:s4+s15], $0x80, s16, s15, $0xb8;
	[tilespmem:$0x1B980] =	vst v63  }
0x2b: {  	v1 =	vld [tilespmem:$0x14050]  }
0x2c: {  	v2 =	vld [tilespmem:$0x14060];
	_ =	sdelay $0x1  }
0x2d: {  	v3 =	vld [tilespmem:$0x14070];
	_ =	sdelay $0x1  }
0x2e: {  	v61 =	vld [tilespmem:$0x14080];
	v60 =	vand.u32 $0xFFFF, v1;
	v1 =	vshrl.u32 v1, $0x10  }
0x2f: {  	v62 =	vand.u32 $0xFFFF, v2;
	v4 =	vadd.s32 v0, v60;
	[tilespmem:$0x16900] =	vst v1  }
0x30: {  	v63 =	vld [tilespmem:$0x14090];
	v1 =	vadd.s32 v0, v62;
	[tilespmem:$0x16800] =	vst v4  }
0x31: {  	[tilespmem:$0x16810] =	vst v1;
	v1 =	vshrl.u32 v2, $0x10;
	v2 =	vand.u32 $0xFFFF, v3  }
0x32: {  	[tilespmem:$0x16910] =	vst v1;
	v1 =	vadd.s32 v0, v2  }
0x33: {  	v2 =	vand.u32 $0xFFFF, v61;
	[tilespmem:$0x16820] =	vst v1;
	v1 =	vshrl.u32 v3, $0x10  }
0x34: {  	[tilespmem:$0x16920] =	vst v1;
	v1 =	vadd.s32 v0, v2  }
0x35: {  	v2 =	vand.u32 $0xFFFF, v63;
	[tilespmem:$0x16830] =	vst v1;
	v1 =	vshrl.u32 v61, $0x10  }
0x36: {  	[tilespmem:$0x16930] =	vst v1;
	v1 =	vadd.s32 v0, v2  }
0x37: {  	[tilespmem:$0x16840] =	vst v1;
	v1 =	vshrl.u32 v63, $0x10  }
0x38: {  	[tilespmem:$0x16940] =	vst v1  }
0x39: {  	[tilespmem:s19], [sflag:$0x1] =	stream.indirect.gather [hbm4b:s4+s15], $0x80, s18, s15, $0xb8;
	[tilespmem:$0x1B980] =	vst v63  }
0x3a: {  	_ =	swait.ge [sflag:s20], $0x2800  }
0x3b: {  	[sflag:s20] =	ssyncset.done $0x0  }
0x3c: {  	[sflag:s20] =	ssyncadd.s32 $0xFFFFD800  }
0x3d: {  	[spmem:s2] =	stream.indirect.scatter.add.f32 [tilespmem:s17], [sflag:$0x2], $0x80, s21, s15, $0xb8;
	[tilespmem:$0x1B980] =	vst v63  }
0x3e: {  	_ =	swait.ge [sflag:s20], $0x2800  }
0x3f: {  	[sflag:s20] =	ssyncset.done $0x0  }
0x40: {  	[sflag:s20] =	ssyncadd.s32 $0xFFFFD800  }
0x41: {  	[spmem:s2] =	stream.indirect.scatter.add.f32 [tilespmem:s19], [sflag:$0x2], $0x80, s22, s15, $0xb8;
	[tilespmem:$0x1B980] =	vst v63  }
0x42: {  	_ =	swait.ge [sflag:s23], $0x2800  }
0x43: {  	[sflag:s23] =	ssyncset.done $0x0  }
0x44: {  	s24 =	simm.s32 $0x140E0;
	[sflag:s23] =	ssyncadd.s32 $0xFFFFD800  }
0x45: {  	v1 =	vld [tilespmem:s24+$0xFFFFFFC0];
	_ =	sdelay $0x3  }
0x46: {  	s25 =	sand.u32 $0x1, s23  }
0x47: {  	s26 =	sshll.u32 s25, $0x7;
	v2 =	vand.u32 $0xFFFF, v1;
	v1 =	vshrl.u32 v1, $0x10  }
0x48: {  	v2 =	vadd.s32 v0, v2;
	[tilespmem:s26+$0x16880] =	vst v1  }
0x49: {  	[tilespmem:s26+$0x16780] =	vst v2  }
0x4a: {  	v1 =	vld [tilespmem:s24+$0xFFFFFFD0];
	_ =	sdelay $0x4  }
0x4b: {  	v2 =	vand.u32 $0xFFFF, v1;
	v1 =	vshrl.u32 v1, $0x10  }
0x4c: {  	v2 =	vadd.s32 v0, v2;
	[tilespmem:s26+$0x16890] =	vst v1  }
0x4d: {  	[tilespmem:s26+$0x16790] =	vst v2  }
0x4e: {  	v1 =	vld [tilespmem:s24+$0xFFFFFFE0];
	_ =	sdelay $0x4  }
0x4f: {  	v2 =	vand.u32 $0xFFFF, v1;
	v1 =	vshrl.u32 v1, $0x10  }
0x50: {  	v2 =	vadd.s32 v0, v2;
	[tilespmem:s26+$0x168A0] =	vst v1  }
0x51: {  	[tilespmem:s26+$0x167A0] =	vst v2  }
0x52: {  	v1 =	vld [tilespmem:s24+$0xFFFFFFF0];
	_ =	sdelay $0x4  }
0x53: {  	v2 =	vand.u32 $0xFFFF, v1;
	v1 =	vshrl.u32 v1, $0x10  }
0x54: {  	v2 =	vadd.s32 v0, v2;
	[tilespmem:s26+$0x168B0] =	vst v1  }
0x55: {  	[tilespmem:s26+$0x167B0] =	vst v2  }
0x56: {  	v1 =	vld [tilespmem:s24+$0x0];
	_ =	sdelay $0x3  }
0x57: {  	s30 =	smul.u32 $0xA000, s25  }
0x58: {  	v2 =	vand.u32 $0xFFFF, v1;
	v1 =	vshrl.u32 v1, $0x10  }
0x59: {  	s24 =	sshrl.u32 s30, $0x2;
	v2 =	vadd.s32 v0, v2;
	[tilespmem:s26+$0x168C0] =	vst v1  }
0x5a: {  	s31 =	sadd.s32 $0x16780, s26;
	s28 =	sadd.s32 $0x16980, s24;
	[tilespmem:s26+$0x167C0] =	vst v2  }
0x5b: {  	[tilespmem:s28], [sflag:$0x1] =	stream.indirect.gather [hbm4b:s4+s15], $0x80, s31, s15, $0xb8;
	[tilespmem:$0x1B980] =	vst v63  }
0x5c: {  	_ =	swait.ge [sflag:s20], $0x2800  }
0x5d: {  	s25 =	simm.s32 $0x14130;
	[sflag:s20] =	ssyncset.done $0x0  }
0x5e: {  	s24 =	simm.s32 $0x3;
	s26 =	sadd.s32 $0x16880, s26;
	[sflag:s20] =	ssyncadd.s32 $0xFFFFD800  }
.LBB2_2:
0x5f: {  	[spmem:s2] =	stream.indirect.scatter.add.f32 [tilespmem:s28], [sflag:$0x2], $0x80, s26, s15, $0xb8;
	[tilespmem:$0x1B980] =	vst v63  }
0x60: {  	s26 =	smov.u32 s24  }
0x61: {  	p0 =	sne.s32 s24, $0x7C;
	s24 =	sadd.s32 $0x1, s24;
	_ =	swait.ge [sflag:s23], $0x2800  }
0x62: {  	[sflag:s23] =	ssyncset.done $0x0  }
0x63: {  	[sflag:s23] =	ssyncadd.s32 $0xFFFFD800  }
0x64: {  	v1 =	vld [tilespmem:s25+$0xFFFFFFC0];
	_ =	sdelay $0x3  }
0x65: {  	s28 =	sand.u32 $0x1, s26  }
0x66: {  	s26 =	sshll.u32 s28, $0x7;
	s28 =	smul.u32 $0xA000, s28;
	v2 =	vand.u32 $0xFFFF, v1;
	v1 =	vshrl.u32 v1, $0x10  }
0x67: {  	v2 =	vadd.s32 v0, v2;
	[tilespmem:s26+$0x16880] =	vst v1  }
0x68: {  	s28 =	sshrl.u32 s28, $0x2;
	[tilespmem:s26+$0x16780] =	vst v2  }
0x69: {  	v1 =	vld [tilespmem:s25+$0xFFFFFFD0];
	_ =	sdelay $0x4  }
0x6a: {  	v2 =	vand.u32 $0xFFFF, v1;
	v1 =	vshrl.u32 v1, $0x10  }
0x6b: {  	v2 =	vadd.s32 v0, v2;
	[tilespmem:s26+$0x16890] =	vst v1  }
0x6c: {  	[tilespmem:s26+$0x16790] =	vst v2  }
0x6d: {  	v1 =	vld [tilespmem:s25+$0xFFFFFFE0];
	_ =	sdelay $0x4  }
0x6e: {  	v2 =	vand.u32 $0xFFFF, v1;
	v1 =	vshrl.u32 v1, $0x10  }
0x6f: {  	v2 =	vadd.s32 v0, v2;
	[tilespmem:s26+$0x168A0] =	vst v1  }
0x70: {  	[tilespmem:s26+$0x167A0] =	vst v2  }
0x71: {  	v1 =	vld [tilespmem:s25+$0xFFFFFFF0];
	_ =	sdelay $0x4  }
0x72: {  	v2 =	vand.u32 $0xFFFF, v1;
	v1 =	vshrl.u32 v1, $0x10  }
0x73: {  	v2 =	vadd.s32 v0, v2;
	[tilespmem:s26+$0x168B0] =	vst v1  }
0x74: {  	[tilespmem:s26+$0x167B0] =	vst v2  }
0x75: {  	v1 =	vld [tilespmem:s25+$0x0];
	_ =	sdelay $0x4  }
0x76: {  	v2 =	vand.u32 $0xFFFF, v1;
	v1 =	vshrl.u32 v1, $0x10  }
0x77: {  	v2 =	vadd.s32 v0, v2;
	[tilespmem:s26+$0x168C0] =	vst v1  }
.Ltmp0:
0x78: {  	s29 =	sadd.s32 $0x16780, s26;
	s28 =	sadd.s32 $0x16980, s28;
	[tilespmem:s26+$0x167C0] =	vst v2;
	(pc) =	sbr.rel @p0 .LBB2_2-.Ltmp0, $4  }
0x79: {  	[tilespmem:s28], [sflag:$0x1] =	stream.indirect.gather [hbm4b:s4+s15], $0x80, s29, s15, $0xb8;
	[tilespmem:$0x1B980] =	vst v63  }
0x7a: {  	_ =	swait.ge [sflag:s20], $0x2800  }
0x7b: {  	[sflag:s20] =	ssyncset.done $0x0  }
0x7c: {  	s25 =	sadd.s32 $0x50, s25;
	s26 =	sadd.s32 $0x16880, s26;
	[sflag:s20] =	ssyncadd.s32 $0xFFFFD800  }
0x7d: {  	[spmem:s2] =	stream.indirect.scatter.add.f32 [tilespmem:s28], [sflag:$0x2], $0x80, s26, s15, $0xb8;
	[tilespmem:$0x1B980] =	vst v63  }
0x7e: {  	_ =	swait.ge [sflag:s23], $0x2800  }
0x7f: {  	[sflag:s23] =	ssyncset.done $0x0  }
0x80: {  	[sflag:s23] =	ssyncadd.s32 $0xFFFFD800  }
0x81: {  	_ =	swait.ge [sflag:s23], $0x2800  }
0x82: {  	s3 =	sadd.s32 $0x1, s3;
	[sflag:s23] =	ssyncset.done $0x0  }
0x83: {  	p0 =	sne.s32 s3, s9;
	[sflag:s23] =	ssyncadd.s32 $0xFFFFD800  }
.Ltmp1:
0x84: {  	[bflag:$0x0] =	sbarrier.arrive $0xFFFF;
	(pc) =	sbr.rel @p0 .LBB2_1-.Ltmp1, $4  }
0x85: {  	[hbm:s8], [sflag:s6] =	dma.local [spmem:s10], $0x2800  }
0x86: {  	_ =	swait.ge [sflag:s11], $0x2800  }
0x87: {  	[sflag:s11] =	ssyncset.done $0x0  }
0x88: {  	[sflag:s11] =	ssyncadd.s32 $0xFFFFD800  }
0x89: {  	_ =	sfence.sel $0x180000  }
0x8a: {  	[bflag:$0x0] =	sbarrier.arrive $0xFFFF  }
0x8b: {  	p0 =	sne.s32 s0, $0x0;
	_ =	strace $0x9000004A  }
0x8c: {  	s0 =	sadd.s32 @!p0 $0x100000, s1;
	[bflag:$0x2] =	sbarrier.arrive $0xFFFF  }
0x8d: {  	[sflag:s0] =	ssyncadd.tile.s32 @!p0 $0x1;
	_ =	shalt  }
.Lfunc_end2:
_tile_overlayer_lowered:
.L_overlay_start_2:
0x8e: {  	(tag) =	ssettag $0x2  }
0x8f: {  	s0 =	rddreg [dreg:$0x0];
	s2 =	stileid.u32  }
0x90: {  	s1 =	rddreg [dreg:$0x1];
	p0 =	sne.s32 s2, $0x0  }
0x91: {  	s3 =	rddreg [dreg:$0x2];
	[bflag:$0x3] =	sbarrier.arrive $0xFFFF;
	s2 =	simm.s32 @!p0 $0x1C03  }
0x92: {  	[timem:s3], [sflag:s2] =	dma.local @!p0 [hbm:s0], s1  }
0x93: {  	s0 =	simm.s32 @!p0 $0x3  }
0x94: {  	_ =	swait.ge @!p0 [sflag:s0], s1  }
0x95: {  	s1 =	ssub.s32 @!p0 $0x0, s1;
	[sflag:s0] =	ssyncset.done @!p0 $0x0  }
0x96: {  	[sflag:s0] =	ssyncadd.s32 @!p0 s1  }
0x97: {  	[bflag:$0x3] =	sbarrier.arrive $0xFFFF  }
0x98: {  	_ =	shalt  }

// kernel: kernel.14.cloned.1.call-start
scs
__scs_entry_jumppad:
0x0: {  	(pc) =	sbr.rel $0x88, $3  }
0x1: {  	(tag) =	ssettag $0x0;
	lr =	simm.s32 $0x1  }
0x2: {  	[smem:$0x3F9B] =	sst lr;
	_ =	strace $0xD0000000  }
0x3: {  	_ = 	snop  }
0x4: {  	_ = 	snop  }
0x5: {  	_ = 	snop  }
0x6: {  	_ = 	snop  }
0x7: {  	_ = 	snop  }
__scs_overlays_trampoline_lowered:
0x8: {  	[smem:$0x3FAA] =	sst s0  }
0x9: {  	[smem:$0x3FAB] =	sst s1  }
0xa: {  	[smem:$0x3FAC] =	sst s2  }
0xb: {  	[smem:$0x3FAD] =	sst s3  }
0xc: {  	[smem:$0x3FAE] =	sst s4  }
0xd: {  	[smem:$0x3FAF] =	sst s5  }
0xe: {  	[smem:$0x3FB0] =	sst s6  }
0xf: {  	[smem:$0x3FB1] =	sst s7  }
0x10: {  	[smem:$0x3FB2] =	sst s8  }
0x11: {  	[smem:$0x3FB3] =	sst s9;
	s0 =	simm.s32 @!p0 $0x0  }
0x12: {  	s1 =	sld [smem:$0x3F99];
	s0 =	simm.s32 @p0 $0x1  }
0x13: {  	[smem:$0x3FB4] =	sst s0;
	s0 =	simm.s32 @!p1 $0x0  }
0x14: {  	s2 =	sld [smem:$0x3F98];
	s0 =	simm.s32 @p1 $0x1  }
0x15: {  	[smem:$0x3FB5] =	sst s0;
	s0 =	simm.s32 @!p2 $0x0  }
0x16: {  	s3 =	sld [smem:$0x3FDB];
	s0 =	simm.s32 @p2 $0x1  }
0x17: {  	s4 =	simm.s32 $0x1BF5;
	[smem:$0x3FB7] =	sst s0  }
0x18: {  	s0 =	sld [smem:$0x3F9A];
	_ =	swait.ge [sflag:s4], $0x0  }
0x19: {  	s7 =	sld [smem:$0x3F9B]  }
0x1a: {  	s8 =	sadd.s32 $0xFFFFE003, lr  }
0x1b: {  	s9 =	sadd.s32 $0xFFFFFEF7, lr;
	s5 =	simm.s32 $0xFFFFFFFF;
	p2 =	slt.u32 s8, $0xFFFFF086  }
0x1c: {  	p1 =	slt.u32 s9, $0xF7A;
	s5 =	simm.s32 @!p2 $0x0  }
0x1d: {  	s5 =	simm.s32 @p1 $0x1;
	p0 =	seq.s32 s7, s2  }
0x1e: {  	s7 =	smul.u32 @!p0 $0xF7A, s2;
	p2 =	seq.s32 @!p0 s5, $0x0  }
0x1f: {  	s9 =	smul.u32 $0xF7A, s1;
	s8 =	simm.s32 @!p0 $0x1BF5;
	p2 =	por !p2, p0  }
0x20: {  	[sflag:s8] =	ssyncset.s32 @!p0 $0xFFFFF086;
	s6 =	sadd.s32 @!p0 s3, s7;
	s7 =	simm.s32 @!p0 $0x108  }
0x21: {  	s3 =	sadd.s32 s3, s9;
	s6 =	sadd.s32 @!p0 $0x88, s6;
	s7 =	simm.s32 @p2 $0x1082  }
0x22: {  	[simem:s7], [sflag:s8] =	dma.local @!p0 [hbm:s6], $0xF7A  }
0x23: {  	s9 =	sor.u32 $0xD0000000, s2;
	s6 =	simm.s32 $0x108;
	_ =	swait.ge @!p0 [sflag:s8], $0x0  }
0x24: {  	s3 =	sadd.s32 $0x88, s3;
	s6 =	simm.s32 @!p1 $0x1082;
	[sflag:s4] =	ssyncset.s32 $0xFFFFF086  }
0x25: {  	[simem:s6], [sflag:s4] =	dma.local [hbm:s3], $0xF7A  }
0x26: {  	[smem:$0x3F9B] =	sst s1;
	(tag) =	ssettag s2;
	_ =	strace s9  }
0x27: {  	s1 =	sld [smem:$0x3FAB]  }
0x28: {  	s2 =	sld [smem:$0x3FAC]  }
0x29: {  	s4 =	sld [smem:$0x3FAE]  }
0x2a: {  	p0 =	seq.s32 s5, $0x0;
	s5 =	sld [smem:$0x3FAF]  }
0x2b: {  	s6 =	sld [smem:$0x3FB0]  }
0x2c: {  	s7 =	sld [smem:$0x3FB1]  }
0x2d: {  	s3 =	simm.s32 $0x108;
	s8 =	sld [smem:$0x3FB2]  }
0x2e: {  	s3 =	simm.s32 @!p0 $0x1082;
	s9 =	sld [smem:$0x3FB3]  }
0x2f: {  	lr =	sadd.s32 s0, s3;
	s0 =	sld [smem:$0x3FAA]  }
0x30: {  	s3 =	sld [smem:$0x3FAD]  }
0x31: {  	[smem:$0x3FB6] =	sst s10  }
0x32: {  	s10 =	sld [smem:$0x3FB4];
	_ =	sdelay $0x3  }
0x33: {  	p0 =	seq.s32 s10, $0x1;
	s10 =	sld [smem:$0x3FB6];
	_ =	sdelay $0x3  }
0x34: {  	[smem:$0x3FB6] =	sst s10  }
0x35: {  	s10 =	sld [smem:$0x3FB5];
	_ =	sdelay $0x3  }
0x36: {  	p1 =	seq.s32 s10, $0x1;
	s10 =	sld [smem:$0x3FB6];
	_ =	sdelay $0x3  }
0x37: {  	[smem:$0x3FB6] =	sst s10  }
0x38: {  	s10 =	sld [smem:$0x3FB7]  }
0x39: {  	_ = 	snop;
	(pc) =	sbr.ind lr, $3  }
0x3a: {  	_ = 	snop  }
0x3b: {  	_ = 	snop  }
0x3c: {  	p2 =	seq.s32 s10, $0x1;
	s10 =	sld [smem:$0x3FB6]  }
0x3d: {  	_ =	shalt  }
0x3e: {  	_ =	shalt  }
0x3f: {  	_ =	shalt  }
0x40: {  	_ =	shalt  }
0x41: {  	_ =	shalt  }
0x42: {  	_ =	shalt  }
0x43: {  	_ =	shalt  }
0x44: {  	_ =	shalt  }
0x45: {  	_ =	shalt  }
0x46: {  	_ =	shalt  }
0x47: {  	_ =	shalt  }
0x48: {  	_ =	shalt  }
0x49: {  	_ =	shalt  }
0x4a: {  	_ =	shalt  }
0x4b: {  	_ =	shalt  }
0x4c: {  	_ =	shalt  }
0x4d: {  	_ =	shalt  }
0x4e: {  	_ =	shalt  }
0x4f: {  	_ =	shalt  }
0x50: {  	_ =	shalt  }
0x51: {  	_ =	shalt  }
0x52: {  	_ =	shalt  }
0x53: {  	_ =	shalt  }
0x54: {  	_ =	shalt  }
0x55: {  	_ =	shalt  }
0x56: {  	_ =	shalt  }
0x57: {  	_ =	shalt  }
0x58: {  	_ =	shalt  }
0x59: {  	_ =	shalt  }
0x5a: {  	_ =	shalt  }
0x5b: {  	_ =	shalt  }
0x5c: {  	_ =	shalt  }
0x5d: {  	_ =	shalt  }
0x5e: {  	_ =	shalt  }
0x5f: {  	_ =	shalt  }
0x60: {  	_ =	shalt  }
0x61: {  	_ =	shalt  }
0x62: {  	_ =	shalt  }
0x63: {  	_ =	shalt  }
0x64: {  	_ =	shalt  }
0x65: {  	_ =	shalt  }
0x66: {  	_ =	shalt  }
0x67: {  	_ =	shalt  }
0x68: {  	_ =	shalt  }
0x69: {  	_ =	shalt  }
0x6a: {  	_ =	shalt  }
0x6b: {  	_ =	shalt  }
0x6c: {  	_ =	shalt  }
0x6d: {  	_ =	shalt  }
0x6e: {  	_ =	shalt  }
0x6f: {  	_ =	shalt  }
0x70: {  	_ =	shalt  }
0x71: {  	_ =	shalt  }
0x72: {  	_ =	shalt  }
0x73: {  	_ =	shalt  }
0x74: {  	_ =	shalt  }
0x75: {  	_ =	shalt  }
0x76: {  	_ =	shalt  }
0x77: {  	_ =	shalt  }
0x78: {  	_ =	shalt  }
0x79: {  	_ =	shalt  }
0x7a: {  	_ =	shalt  }
0x7b: {  	_ =	shalt  }
0x7c: {  	_ =	shalt  }
0x7d: {  	_ =	shalt  }
0x7e: {  	_ =	shalt  }
0x7f: {  	_ =	shalt  }
0x80: {  	_ =	shalt  }
0x81: {  	_ =	shalt  }
0x82: {  	_ =	shalt  }
0x83: {  	_ =	shalt  }
0x84: {  	_ =	shalt  }
0x85: {  	_ =	shalt  }
0x86: {  	_ =	shalt  }
0x87: {  	_ =	shalt  }
.Lfunc_end0:
.L_simem_size_0:
called_computation.2_lowered:
.L_overlay_start_0:
0x88: {  	s2 =	sld [smem:$0x3FD9]  }
0x89: {  	s3 =	sld [smem:$0x3FFE];
	_ =	sdelay $0x1  }
0x8a: {  	s1 =	srdreg.scid  }
0x8b: {  	s0 =	sand.u32 $0x1, s1  }
0x8c: {  	s17 =	sshll.u32 s0, $0xA;
	s2 =	sadd.s32 s3, s2  }
0x8d: {  	s2 =	sadd.s32 s2, s17  }
0x8e: {  	[smem:$0x3FC2] =	sst s2  }
0x8f: {  	_ = 	snop  }
0x90: {  	s2 =	sld [smem:$0x3FD0];
	(tm) =	ssettm $0x1  }
0x91: {  	s18 =	sld [smem:$0x3FFB];
	_ =	sdelay $0x3  }
0x92: {  	_ =	strace s18  }
0x93: {  	s3 =	sld [smem:$0x3FFC];
	_ =	sdelay $0x3  }
0x94: {  	_ =	strace s3  }
0x95: {  	s3 =	sld [smem:$0x3FFD];
	_ =	sdelay $0x3  }
0x96: {  	_ =	strace s3  }
0x97: {  	_ =	strace $0x8FFFFFFF  }
0x98: {  	s19 =	sld [smem:$0x3FDB];
	_ =	sdelay $0x1  }
0x99: {  	s4 =	simm.s32 $_scs_section_size  }
0x9a: {  	s5 =	simm.s32 $_size__tile_overlayer_lowered;
	s6 =	simm.s32 $_tile_overlayer_lowered  }
0x9b: {  	s22 =	simm.s32 $0x1BFF;
	s21 =	sshll.u32 s6, $0x1;
	s3 =	sadd.s32 s4, s19  }
0x9c: {  	s7 =	simm.s32 $0x0;
	s20 =	sshll.u32 s5, $0x1;
	s5 =	sadd.s32 s21, s3  }
0x9d: {  	[timem:s7], [sflag:s22] =	dma.local [hbm:s5], s20  }
0x9e: {  	_ =	swait.ge [sflag:s22], s20  }
0x9f: {  	s4 =	ssub.s32 $0x0, s20;
	[sflag:s22] =	ssyncset.done $0x0  }
0xa0: {  	[sflag:s22] =	ssyncadd.s32 s4;
	_ =	sdelay $0x1  }
0xa1: {  	s23 =	simm.s32 $0x1B8B  }
0xa2: {  	_ =	swait.ge [sflag:s23], $0x1  }
0xa3: {  	[sflag:s23] =	ssyncset.done $0x0  }
0xa4: {  	s25 =	simm.s32 $0x1B8E;
	s24 =	sld [smem:$0x3FFE];
	[sflag:s23] =	ssyncadd.s32 $0xFFFFFFFF  }
0xa5: {  	s26 =	simm.s32 $execute0_lowered;
	[smem:$0x3FD2] =	sst s25  }
0xa6: {  	s5 =	sshll.u32 s26, $0x1;
	_ =	strace $0x8000004C;
	[dreg:$0x1] =	wrdreg $0xFFFFFFFF  }
0xa7: {  	s28 =	simm.s32 $_size_execute0_lowered;
	s3 =	sadd.s32 s3, s5;
	[dreg:$0x0] =	wrdreg $0x0  }
0xa8: {  	s5 =	sshll.u32 s28, $0x1;
	[dreg:$0x2] =	wrdreg s3  }
0xa9: {  	[dreg:$0x3] =	wrdreg s5  }
0xaa: {  	[dreg:$0x4] =	wrdreg $0xC0  }
0xab: {  	_ =	task [dreg:s7], $0x5FFFF  }
0xac: {  	[dreg:$0x1] =	wrdreg $0xFFFFFFFF  }
0xad: {  	[dreg:$0x0] =	wrdreg $0x60  }
0xae: {  	[dreg:$0x2] =	wrdreg s24  }
0xaf: {  	[dreg:$0x3] =	wrdreg s2  }
0xb0: {  	[dreg:$0x4] =	wrdreg $0x0  }
0xb1: {  	[dreg:$0x5] =	wrdreg $0x9  }
0xb2: {  	_ =	task.clear_ibuf [dreg:s7], $0x6FFFF;
	_ =	strace $0x9000004C  }
0xb3: {  	s29 =	simm.s32 $0x9;
	_ =	strace $0x8000004E  }
0xb4: {  	_ =	swait.ge [sflag:s29], $0x1  }
0xb5: {  	[sflag:s29] =	ssyncadd.s32 $0xFFFFFFFF  }
0xb6: {  	_ =	strace $0x9000004E  }
0xb7: {  	_ =	sfence  }
0xb8: {  	s30 =	sld [smem:$0x0];
	_ =	sdelay $0x2  }
0xb9: {  	s31 =	sshll.u32 s1, $0xD;
	s1 =	sshrl.u32 s1, $0x2  }
0xba: {  	s3 =	sand.u32 $0x4000, s31;
	s1 =	sadd.s32 s1, s30  }
0xbb: {  	s0 =	sor.u32 s3, s0;
	s1 =	sshll.u32 s1, $0x11  }
0xbc: {  	s0 =	sor.u32 s1, s0  }
0xbd: {  	s0 =	sadd.s32 $0x8F2B, s0  }
0xbe: {  	[sflag:s0] =	ssyncadd.remote.s32 $0x1  }
0xbf: {  	_ =	sfence.sel $0xFFFF  }
0xc0: {  	[dreg:$0x0] =	wrdreg $0xFFFFFFFF;
	(pc) =	sbr.abs _section_cstart, $3  }
0xc1: {  	[dreg:$0x1] =	wrdreg $0xFFFFFFFF  }
0xc2: {  	_ =	task.clear_ibuf [dreg:s7], $0x2FFFF;
	_ =	strace $0x9FFFFFFF  }
0xc3: {  	(tm) =	ssettm $0x7FFFFFFF  }
tec
execute0_lowered:
.L_overlay_start_1:
0x0: {  	(tag) =	ssettag $0x1  }
0x1: {  	s5 =	rddreg [dreg:$0x0]  }
0x2: {  	s7 =	rddreg [dreg:$0x1]  }
0x3: {  	s2 =	rddreg [dreg:$0x2]  }
0x4: {  	s0 =	srdreg.scid;
	s1 =	rddreg [dreg:$0x3];
	s3 =	simm.s32 $0x0  }
0x5: {  	s14 =	simm.s32 $0x14000;
	s15 =	simm.s32 $0x50;
	s16 =	simm.s32 $0x16780  }
0x6: {  	s17 =	simm.s32 $0x16980;
	s18 =	simm.s32 $0x16800;
	s19 =	simm.s32 $0x19180  }
0x7: {  	s20 =	simm.s32 $0x1;
	s6 =	sand.u32 $0x1, s0;
	s0 =	stileid.u32  }
0x8: {  	s22 =	simm.s32 $0x16900;
	[smem:$0x7FF] =	sst s3;
	s21 =	smul.u32 $0x2800, s6  }
0x9: {  	s23 =	simm.s32 $0x2;
	s4 =	smul.u32 $0x280, s0;
	_ =	strace $0x8000004D  }
0xa: {  	s29 =	smul.u32 $0x50000, s0;
	s10 =	sshrl.u32 s0, $0x3;
	s6 =	ssub.s32 $0x2, s6  }
0xb: {  	s11 =	sshll.u32 s0, $0x7;
	s31 =	sshll.u32 s0, $0x6;
	s10 =	smul.u32 $0x13C00, s10  }
0xc: {  	s12 =	sshrl.u32 s6, $0x1;
	s11 =	sand.u32 $0x380, s11;
	s8 =	sadd.s32 s4, s21  }
0xd: {  	s4 =	sadd.s32 $0x1200, s5;
	s12 =	ssub.s32 s6, s12;
	s6 =	sor.u32 $0x1C03, s31  }
0xe: {  	v0 =	vmov s21;
	s21 =	simm.s32 $0x16880;
	s8 =	sshll.u32 s8, $0x4;
	s30 =	sor.u32 s11, s10  }
0xf: {  	s11 =	simm.s32 $0x3;
	s9 =	sadd.s32 s8, s5;
	s5 =	sshrl.u32 s29, $0x2  }
0x10: {  	s10 =	sshrl.u32 s30, $0x3;
	s13 =	sadd.s32 s5, s2;
	s5 =	sadd.s32 s4, s8  }
0x11: {  	s7 =	sadd.s32 s7, s10;
	s8 =	sadd.s32 $0x51200, s9;
	s9 =	smax.u32 s12, $0x1  }
0x12: {  	s12 =	simm.s32 $0x80;
	s10 =	sshrl.u32 s13, $0x3;
	s13 =	simm.s32 $0x400  }
.LBB2_1:
0x13: {  	[spmem:s10], [sflag:s6] =	dma.local [hbm:s5], $0x2800  }
0x14: {  	_ =	swait.ge [sflag:s11], $0x2800  }
0x15: {  	[sflag:s11] =	ssyncset.done $0x0  }
0x16: {  	[sflag:s11] =	ssyncadd.s32 $0xFFFFD800  }
0x17: {  	[tilespmem:s14], [sflag:$0x3] =	stream.strided.gather [hbm4b:s7+s12], $0x2780, s13, s12, $0x38;
	[tilespmem:$0x1B980] =	vst v63  }
0x18: {  	_ =	swait.ge [sflag:s11], $0x2780  }
0x19: {  	[sflag:s11] =	ssyncset.done $0x0  }
0x1a: {  	[sflag:s11] =	ssyncadd.s32 $0xFFFFD880  }
0x1b: {  	[bflag:$0x0] =	sbarrier.arrive $0xFFFF  }
0x1c: {  	v1 =	vld [tilespmem:$0x14000]  }
0x1d: {  	v2 =	vld [tilespmem:$0x14010];
	_ =	sdelay $0x1  }
0x1e: {  	v3 =	vld [tilespmem:$0x14020];
	_ =	sdelay $0x1  }
0x1f: {  	v5 =	vld [tilespmem:$0x14030];
	v4 =	vand.u32 $0xFFFF, v1;
	v1 =	vshrl.u32 v1, $0x10  }
0x20: {  	v58 =	vand.u32 $0xFFFF, v2;
	v4 =	vadd.s32 v0, v4;
	[tilespmem:$0x16880] =	vst v1  }
0x21: {  	v59 =	vld [tilespmem:$0x14040];
	v1 =	vadd.s32 v0, v58;
	[tilespmem:$0x16780] =	vst v4  }
0x22: {  	[tilespmem:$0x16790] =	vst v1;
	v1 =	vshrl.u32 v2, $0x10;
	v2 =	vand.u32 $0xFFFF, v3  }
0x23: {  	[tilespmem:$0x16890] =	vst v1;
	v1 =	vadd.s32 v0, v2  }
0x24: {  	v2 =	vand.u32 $0xFFFF, v5;
	[tilespmem:$0x167A0] =	vst v1;
	v1 =	vshrl.u32 v3, $0x10  }
0x25: {  	[tilespmem:$0x168A0] =	vst v1;
	v1 =	vadd.s32 v0, v2  }
0x26: {  	v2 =	vand.u32 $0xFFFF, v59;
	[tilespmem:$0x167B0] =	vst v1;
	v1 =	vshrl.u32 v5, $0x10  }
0x27: {  	[tilespmem:$0x168B0] =	vst v1;
	v1 =	vadd.s32 v0, v2  }
0x28: {  	[tilespmem:$0x167C0] =	vst v1;
	v1 =	vshrl.u32 v59, $0x10  }
0x29: {  	[tilespmem:$0x168C0] =	vst v1  }
0x2a: {  	[tilespmem:s17], [sflag:$0x1] =	stream.indirect.gather [hbm4b:s4+s15], $0x80, s16, s15, $0xb8;
	[tilespmem:$0x1B980] =	vst v63  }
0x2b: {  	v1 =	vld [tilespmem:$0x14050]  }
0x2c: {  	v2 =	vld [tilespmem:$0x14060];
	_ =	sdelay $0x1  }
0x2d: {  	v3 =	vld [tilespmem:$0x14070];
	_ =	sdelay $0x1  }
0x2e: {  	v61 =	vld [tilespmem:$0x14080];
	v60 =	vand.u32 $0xFFFF, v1;
	v1 =	vshrl.u32 v1, $0x10  }
0x2f: {  	v62 =	vand.u32 $0xFFFF, v2;
	v4 =	vadd.s32 v0, v60;
	[tilespmem:$0x16900] =	vst v1  }
0x30: {  	v63 =	vld [tilespmem:$0x14090];
	v1 =	vadd.s32 v0, v62;
	[tilespmem:$0x16800] =	vst v4  }
0x31: {  	[tilespmem:$0x16810] =	vst v1;
	v1 =	vshrl.u32 v2, $0x10;
	v2 =	vand.u32 $0xFFFF, v3  }
0x32: {  	[tilespmem:$0x16910] =	vst v1;
	v1 =	vadd.s32 v0, v2  }
0x33: {  	v2 =	vand.u32 $0xFFFF, v61;
	[tilespmem:$0x16820] =	vst v1;
	v1 =	vshrl.u32 v3, $0x10  }
0x34: {  	[tilespmem:$0x16920] =	vst v1;
	v1 =	vadd.s32 v0, v2  }
0x35: {  	v2 =	vand.u32 $0xFFFF, v63;
	[tilespmem:$0x16830] =	vst v1;
	v1 =	vshrl.u32 v61, $0x10  }
0x36: {  	[tilespmem:$0x16930] =	vst v1;
	v1 =	vadd.s32 v0, v2  }
0x37: {  	[tilespmem:$0x16840] =	vst v1;
	v1 =	vshrl.u32 v63, $0x10  }
0x38: {  	[tilespmem:$0x16940] =	vst v1  }
0x39: {  	[tilespmem:s19], [sflag:$0x1] =	stream.indirect.gather [hbm4b:s4+s15], $0x80, s18, s15, $0xb8;
	[tilespmem:$0x1B980] =	vst v63  }
0x3a: {  	_ =	swait.ge [sflag:s20], $0x2800  }
0x3b: {  	[sflag:s20] =	ssyncset.done $0x0  }
0x3c: {  	[sflag:s20] =	ssyncadd.s32 $0xFFFFD800  }
0x3d: {  	[spmem:s2] =	stream.indirect.scatter.add.f32 [tilespmem:s17], [sflag:$0x2], $0x80, s21, s15, $0xb8;
	[tilespmem:$0x1B980] =	vst v63  }
0x3e: {  	_ =	swait.ge [sflag:s20], $0x2800  }
0x3f: {  	[sflag:s20] =	ssyncset.done $0x0  }
0x40: {  	[sflag:s20] =	ssyncadd.s32 $0xFFFFD800  }
0x41: {  	[spmem:s2] =	stream.indirect.scatter.add.f32 [tilespmem:s19], [sflag:$0x2], $0x80, s22, s15, $0xb8;
	[tilespmem:$0x1B980] =	vst v63  }
0x42: {  	_ =	swait.ge [sflag:s23], $0x2800  }
0x43: {  	[sflag:s23] =	ssyncset.done $0x0  }
0x44: {  	s24 =	simm.s32 $0x140E0;
	[sflag:s23] =	ssyncadd.s32 $0xFFFFD800  }
0x45: {  	v1 =	vld [tilespmem:s24+$0xFFFFFFC0];
	_ =	sdelay $0x3  }
0x46: {  	s25 =	sand.u32 $0x1, s23  }
0x47: {  	s26 =	sshll.u32 s25, $0x7;
	v2 =	vand.u32 $0xFFFF, v1;
	v1 =	vshrl.u32 v1, $0x10  }
0x48: {  	v2 =	vadd.s32 v0, v2;
	[tilespmem:s26+$0x16880] =	vst v1  }
0x49: {  	[tilespmem:s26+$0x16780] =	vst v2  }
0x4a: {  	v1 =	vld [tilespmem:s24+$0xFFFFFFD0];
	_ =	sdelay $0x4  }
0x4b: {  	v2 =	vand.u32 $0xFFFF, v1;
	v1 =	vshrl.u32 v1, $0x10  }
0x4c: {  	v2 =	vadd.s32 v0, v2;
	[tilespmem:s26+$0x16890] =	vst v1  }
0x4d: {  	[tilespmem:s26+$0x16790] =	vst v2  }
0x4e: {  	v1 =	vld [tilespmem:s24+$0xFFFFFFE0];
	_ =	sdelay $0x4  }
0x4f: {  	v2 =	vand.u32 $0xFFFF, v1;
	v1 =	vshrl.u32 v1, $0x10  }
0x50: {  	v2 =	vadd.s32 v0, v2;
	[tilespmem:s26+$0x168A0] =	vst v1  }
0x51: {  	[tilespmem:s26+$0x167A0] =	vst v2  }
0x52: {  	v1 =	vld [tilespmem:s24+$0xFFFFFFF0];
	_ =	sdelay $0x4  }
0x53: {  	v2 =	vand.u32 $0xFFFF, v1;
	v1 =	vshrl.u32 v1, $0x10  }
0x54: {  	v2 =	vadd.s32 v0, v2;
	[tilespmem:s26+$0x168B0] =	vst v1  }
0x55: {  	[tilespmem:s26+$0x167B0] =	vst v2  }
0x56: {  	v1 =	vld [tilespmem:s24+$0x0];
	_ =	sdelay $0x3  }
0x57: {  	s30 =	smul.u32 $0xA000, s25  }
0x58: {  	v2 =	vand.u32 $0xFFFF, v1;
	v1 =	vshrl.u32 v1, $0x10  }
0x59: {  	s24 =	sshrl.u32 s30, $0x2;
	v2 =	vadd.s32 v0, v2;
	[tilespmem:s26+$0x168C0] =	vst v1  }
0x5a: {  	s31 =	sadd.s32 $0x16780, s26;
	s28 =	sadd.s32 $0x16980, s24;
	[tilespmem:s26+$0x167C0] =	vst v2  }
0x5b: {  	[tilespmem:s28], [sflag:$0x1] =	stream.indirect.gather [hbm4b:s4+s15], $0x80, s31, s15, $0xb8;
	[tilespmem:$0x1B980] =	vst v63  }
0x5c: {  	_ =	swait.ge [sflag:s20], $0x2800  }
0x5d: {  	s25 =	simm.s32 $0x14130;
	[sflag:s20] =	ssyncset.done $0x0  }
0x5e: {  	s24 =	simm.s32 $0x3;
	s26 =	sadd.s32 $0x16880, s26;
	[sflag:s20] =	ssyncadd.s32 $0xFFFFD800  }
.LBB2_2:
0x5f: {  	[spmem:s2] =	stream.indirect.scatter.add.f32 [tilespmem:s28], [sflag:$0x2], $0x80, s26, s15, $0xb8;
	[tilespmem:$0x1B980] =	vst v63  }
0x60: {  	s26 =	smov.u32 s24  }
0x61: {  	p0 =	sne.s32 s24, $0x7C;
	s24 =	sadd.s32 $0x1, s24;
	_ =	swait.ge [sflag:s23], $0x2800  }
0x62: {  	[sflag:s23] =	ssyncset.done $0x0  }
0x63: {  	[sflag:s23] =	ssyncadd.s32 $0xFFFFD800  }
0x64: {  	v1 =	vld [tilespmem:s25+$0xFFFFFFC0];
	_ =	sdelay $0x3  }
0x65: {  	s28 =	sand.u32 $0x1, s26  }
0x66: {  	s26 =	sshll.u32 s28, $0x7;
	s28 =	smul.u32 $0xA000, s28;
	v2 =	vand.u32 $0xFFFF, v1;
	v1 =	vshrl.u32 v1, $0x10  }
0x67: {  	v2 =	vadd.s32 v0, v2;
	[tilespmem:s26+$0x16880] =	vst v1  }
0x68: {  	s28 =	sshrl.u32 s28, $0x2;
	[tilespmem:s26+$0x16780] =	vst v2  }
0x69: {  	v1 =	vld [tilespmem:s25+$0xFFFFFFD0];
	_ =	sdelay $0x4  }
0x6a: {  	v2 =	vand.u32 $0xFFFF, v1;
	v1 =	vshrl.u32 v1, $0x10  }
0x6b: {  	v2 =	vadd.s32 v0, v2;
	[tilespmem:s26+$0x16890] =	vst v1  }
0x6c: {  	[tilespmem:s26+$0x16790] =	vst v2  }
0x6d: {  	v1 =	vld [tilespmem:s25+$0xFFFFFFE0];
	_ =	sdelay $0x4  }
0x6e: {  	v2 =	vand.u32 $0xFFFF, v1;
	v1 =	vshrl.u32 v1, $0x10  }
0x6f: {  	v2 =	vadd.s32 v0, v2;
	[tilespmem:s26+$0x168A0] =	vst v1  }
0x70: {  	[tilespmem:s26+$0x167A0] =	vst v2  }
0x71: {  	v1 =	vld [tilespmem:s25+$0xFFFFFFF0];
	_ =	sdelay $0x4  }
0x72: {  	v2 =	vand.u32 $0xFFFF, v1;
	v1 =	vshrl.u32 v1, $0x10  }
0x73: {  	v2 =	vadd.s32 v0, v2;
	[tilespmem:s26+$0x168B0] =	vst v1  }
0x74: {  	[tilespmem:s26+$0x167B0] =	vst v2  }
0x75: {  	v1 =	vld [tilespmem:s25+$0x0];
	_ =	sdelay $0x4  }
0x76: {  	v2 =	vand.u32 $0xFFFF, v1;
	v1 =	vshrl.u32 v1, $0x10  }
0x77: {  	v2 =	vadd.s32 v0, v2;
	[tilespmem:s26+$0x168C0] =	vst v1  }
.Ltmp0:
0x78: {  	s29 =	sadd.s32 $0x16780, s26;
	s28 =	sadd.s32 $0x16980, s28;
	[tilespmem:s26+$0x167C0] =	vst v2;
	(pc) =	sbr.rel @p0 .LBB2_2-.Ltmp0, $4  }
0x79: {  	[tilespmem:s28], [sflag:$0x1] =	stream.indirect.gather [hbm4b:s4+s15], $0x80, s29, s15, $0xb8;
	[tilespmem:$0x1B980] =	vst v63  }
0x7a: {  	_ =	swait.ge [sflag:s20], $0x2800  }
0x7b: {  	[sflag:s20] =	ssyncset.done $0x0  }
0x7c: {  	s25 =	sadd.s32 $0x50, s25;
	s26 =	sadd.s32 $0x16880, s26;
	[sflag:s20] =	ssyncadd.s32 $0xFFFFD800  }
0x7d: {  	[spmem:s2] =	stream.indirect.scatter.add.f32 [tilespmem:s28], [sflag:$0x2], $0x80, s26, s15, $0xb8;
	[tilespmem:$0x1B980] =	vst v63  }
0x7e: {  	_ =	swait.ge [sflag:s23], $0x2800  }
0x7f: {  	[sflag:s23] =	ssyncset.done $0x0  }
0x80: {  	[sflag:s23] =	ssyncadd.s32 $0xFFFFD800  }
0x81: {  	_ =	swait.ge [sflag:s23], $0x2800  }
0x82: {  	s3 =	sadd.s32 $0x1, s3;
	[sflag:s23] =	ssyncset.done $0x0  }
0x83: {  	p0 =	sne.s32 s3, s9;
	[sflag:s23] =	ssyncadd.s32 $0xFFFFD800  }
.Ltmp1:
0x84: {  	[bflag:$0x0] =	sbarrier.arrive $0xFFFF;
	(pc) =	sbr.rel @p0 .LBB2_1-.Ltmp1, $4  }
0x85: {  	[hbm:s8], [sflag:s6] =	dma.local [spmem:s10], $0x2800  }
0x86: {  	_ =	swait.ge [sflag:s11], $0x2800  }
0x87: {  	[sflag:s11] =	ssyncset.done $0x0  }
0x88: {  	[sflag:s11] =	ssyncadd.s32 $0xFFFFD800  }
0x89: {  	_ =	sfence.sel $0x180000  }
0x8a: {  	[bflag:$0x0] =	sbarrier.arrive $0xFFFF  }
0x8b: {  	p0 =	sne.s32 s0, $0x0;
	_ =	strace $0x9000004D  }
0x8c: {  	s0 =	sadd.s32 @!p0 $0x100000, s1;
	[bflag:$0x2] =	sbarrier.arrive $0xFFFF  }
0x8d: {  	[sflag:s0] =	ssyncadd.tile.s32 @!p0 $0x1;
	_ =	shalt  }
.Lfunc_end2:
_tile_overlayer_lowered:
.L_overlay_start_2:
0x8e: {  	(tag) =	ssettag $0x2  }
0x8f: {  	s0 =	rddreg [dreg:$0x0];
	s2 =	stileid.u32  }
0x90: {  	s1 =	rddreg [dreg:$0x1];
	p0 =	sne.s32 s2, $0x0  }
0x91: {  	s3 =	rddreg [dreg:$0x2];
	[bflag:$0x3] =	sbarrier.arrive $0xFFFF;
	s2 =	simm.s32 @!p0 $0x1C03  }
0x92: {  	[timem:s3], [sflag:s2] =	dma.local @!p0 [hbm:s0], s1  }
0x93: {  	s0 =	simm.s32 @!p0 $0x3  }
0x94: {  	_ =	swait.ge @!p0 [sflag:s0], s1  }
0x95: {  	s1 =	ssub.s32 @!p0 $0x0, s1;
	[sflag:s0] =	ssyncset.done @!p0 $0x0  }
0x96: {  	[sflag:s0] =	ssyncadd.s32 @!p0 s1  }
0x97: {  	[bflag:$0x3] =	sbarrier.arrive $0xFFFF  }
0x98: {  	_ =	shalt  }

// kernel: kernel.8.cloned.1.call-start
scs
__scs_entry_jumppad:
0x0: {  	(pc) =	sbr.rel $0x88, $3  }
0x1: {  	(tag) =	ssettag $0x0;
	lr =	simm.s32 $0x1  }
0x2: {  	[smem:$0x3F9B] =	sst lr;
	_ =	strace $0xD0000000  }
0x3: {  	_ = 	snop  }
0x4: {  	_ = 	snop  }
0x5: {  	_ = 	snop  }
0x6: {  	_ = 	snop  }
0x7: {  	_ = 	snop  }
__scs_overlays_trampoline_lowered:
0x8: {  	[smem:$0x3FAA] =	sst s0  }
0x9: {  	[smem:$0x3FAB] =	sst s1  }
0xa: {  	[smem:$0x3FAC] =	sst s2  }
0xb: {  	[smem:$0x3FAD] =	sst s3  }
0xc: {  	[smem:$0x3FAE] =	sst s4  }
0xd: {  	[smem:$0x3FAF] =	sst s5  }
0xe: {  	[smem:$0x3FB0] =	sst s6  }
0xf: {  	[smem:$0x3FB1] =	sst s7  }
0x10: {  	[smem:$0x3FB2] =	sst s8  }
0x11: {  	[smem:$0x3FB3] =	sst s9;
	s0 =	simm.s32 @!p0 $0x0  }
0x12: {  	s1 =	sld [smem:$0x3F99];
	s0 =	simm.s32 @p0 $0x1  }
0x13: {  	[smem:$0x3FB4] =	sst s0;
	s0 =	simm.s32 @!p1 $0x0  }
0x14: {  	s2 =	sld [smem:$0x3F98];
	s0 =	simm.s32 @p1 $0x1  }
0x15: {  	[smem:$0x3FB5] =	sst s0;
	s0 =	simm.s32 @!p2 $0x0  }
0x16: {  	s3 =	sld [smem:$0x3FDB];
	s0 =	simm.s32 @p2 $0x1  }
0x17: {  	s4 =	simm.s32 $0x1BF5;
	[smem:$0x3FB7] =	sst s0  }
0x18: {  	s0 =	sld [smem:$0x3F9A];
	_ =	swait.ge [sflag:s4], $0x0  }
0x19: {  	s7 =	sld [smem:$0x3F9B]  }
0x1a: {  	s8 =	sadd.s32 $0xFFFFE003, lr  }
0x1b: {  	s9 =	sadd.s32 $0xFFFFFEF7, lr;
	s5 =	simm.s32 $0xFFFFFFFF;
	p2 =	slt.u32 s8, $0xFFFFF086  }
0x1c: {  	p1 =	slt.u32 s9, $0xF7A;
	s5 =	simm.s32 @!p2 $0x0  }
0x1d: {  	s5 =	simm.s32 @p1 $0x1;
	p0 =	seq.s32 s7, s2  }
0x1e: {  	s7 =	smul.u32 @!p0 $0xF7A, s2;
	p2 =	seq.s32 @!p0 s5, $0x0  }
0x1f: {  	s9 =	smul.u32 $0xF7A, s1;
	s8 =	simm.s32 @!p0 $0x1BF5;
	p2 =	por !p2, p0  }
0x20: {  	[sflag:s8] =	ssyncset.s32 @!p0 $0xFFFFF086;
	s6 =	sadd.s32 @!p0 s3, s7;
	s7 =	simm.s32 @!p0 $0x108  }
0x21: {  	s3 =	sadd.s32 s3, s9;
	s6 =	sadd.s32 @!p0 $0x88, s6;
	s7 =	simm.s32 @p2 $0x1082  }
0x22: {  	[simem:s7], [sflag:s8] =	dma.local @!p0 [hbm:s6], $0xF7A  }
0x23: {  	s9 =	sor.u32 $0xD0000000, s2;
	s6 =	simm.s32 $0x108;
	_ =	swait.ge @!p0 [sflag:s8], $0x0  }
0x24: {  	s3 =	sadd.s32 $0x88, s3;
	s6 =	simm.s32 @!p1 $0x1082;
	[sflag:s4] =	ssyncset.s32 $0xFFFFF086  }
0x25: {  	[simem:s6], [sflag:s4] =	dma.local [hbm:s3], $0xF7A  }
0x26: {  	[smem:$0x3F9B] =	sst s1;
	(tag) =	ssettag s2;
	_ =	strace s9  }
0x27: {  	s1 =	sld [smem:$0x3FAB]  }
0x28: {  	s2 =	sld [smem:$0x3FAC]  }
0x29: {  	s4 =	sld [smem:$0x3FAE]  }
0x2a: {  	p0 =	seq.s32 s5, $0x0;
	s5 =	sld [smem:$0x3FAF]  }
0x2b: {  	s6 =	sld [smem:$0x3FB0]  }
0x2c: {  	s7 =	sld [smem:$0x3FB1]  }
0x2d: {  	s3 =	simm.s32 $0x108;
	s8 =	sld [smem:$0x3FB2]  }
0x2e: {  	s3 =	simm.s32 @!p0 $0x1082;
	s9 =	sld [smem:$0x3FB3]  }
0x2f: {  	lr =	sadd.s32 s0, s3;
	s0 =	sld [smem:$0x3FAA]  }
0x30: {  	s3 =	sld [smem:$0x3FAD]  }
0x31: {  	[smem:$0x3FB6] =	sst s10  }
0x32: {  	s10 =	sld [smem:$0x3FB4];
	_ =	sdelay $0x3  }
0x33: {  	p0 =	seq.s32 s10, $0x1;
	s10 =	sld [smem:$0x3FB6];
	_ =	sdelay $0x3  }
0x34: {  	[smem:$0x3FB6] =	sst s10  }
0x35: {  	s10 =	sld [smem:$0x3FB5];
	_ =	sdelay $0x3  }
0x36: {  	p1 =	seq.s32 s10, $0x1;
	s10 =	sld [smem:$0x3FB6];
	_ =	sdelay $0x3  }
0x37: {  	[smem:$0x3FB6] =	sst s10  }
0x38: {  	s10 =	sld [smem:$0x3FB7]  }
0x39: {  	_ = 	snop;
	(pc) =	sbr.ind lr, $3  }
0x3a: {  	_ = 	snop  }
0x3b: {  	_ = 	snop  }
0x3c: {  	p2 =	seq.s32 s10, $0x1;
	s10 =	sld [smem:$0x3FB6]  }
0x3d: {  	_ =	shalt  }
0x3e: {  	_ =	shalt  }
0x3f: {  	_ =	shalt  }
0x40: {  	_ =	shalt  }
0x41: {  	_ =	shalt  }
0x42: {  	_ =	shalt  }
0x43: {  	_ =	shalt  }
0x44: {  	_ =	shalt  }
0x45: {  	_ =	shalt  }
0x46: {  	_ =	shalt  }
0x47: {  	_ =	shalt  }
0x48: {  	_ =	shalt  }
0x49: {  	_ =	shalt  }
0x4a: {  	_ =	shalt  }
0x4b: {  	_ =	shalt  }
0x4c: {  	_ =	shalt  }
0x4d: {  	_ =	shalt  }
0x4e: {  	_ =	shalt  }
0x4f: {  	_ =	shalt  }
0x50: {  	_ =	shalt  }
0x51: {  	_ =	shalt  }
0x52: {  	_ =	shalt  }
0x53: {  	_ =	shalt  }
0x54: {  	_ =	shalt  }
0x55: {  	_ =	shalt  }
0x56: {  	_ =	shalt  }
0x57: {  	_ =	shalt  }
0x58: {  	_ =	shalt  }
0x59: {  	_ =	shalt  }
0x5a: {  	_ =	shalt  }
0x5b: {  	_ =	shalt  }
0x5c: {  	_ =	shalt  }
0x5d: {  	_ =	shalt  }
0x5e: {  	_ =	shalt  }
0x5f: {  	_ =	shalt  }
0x60: {  	_ =	shalt  }
0x61: {  	_ =	shalt  }
0x62: {  	_ =	shalt  }
0x63: {  	_ =	shalt  }
0x64: {  	_ =	shalt  }
0x65: {  	_ =	shalt  }
0x66: {  	_ =	shalt  }
0x67: {  	_ =	shalt  }
0x68: {  	_ =	shalt  }
0x69: {  	_ =	shalt  }
0x6a: {  	_ =	shalt  }
0x6b: {  	_ =	shalt  }
0x6c: {  	_ =	shalt  }
0x6d: {  	_ =	shalt  }
0x6e: {  	_ =	shalt  }
0x6f: {  	_ =	shalt  }
0x70: {  	_ =	shalt  }
0x71: {  	_ =	shalt  }
0x72: {  	_ =	shalt  }
0x73: {  	_ =	shalt  }
0x74: {  	_ =	shalt  }
0x75: {  	_ =	shalt  }
0x76: {  	_ =	shalt  }
0x77: {  	_ =	shalt  }
0x78: {  	_ =	shalt  }
0x79: {  	_ =	shalt  }
0x7a: {  	_ =	shalt  }
0x7b: {  	_ =	shalt  }
0x7c: {  	_ =	shalt  }
0x7d: {  	_ =	shalt  }
0x7e: {  	_ =	shalt  }
0x7f: {  	_ =	shalt  }
0x80: {  	_ =	shalt  }
0x81: {  	_ =	shalt  }
0x82: {  	_ =	shalt  }
0x83: {  	_ =	shalt  }
0x84: {  	_ =	shalt  }
0x85: {  	_ =	shalt  }
0x86: {  	_ =	shalt  }
0x87: {  	_ =	shalt  }
.Lfunc_end0:
.L_simem_size_0:
called_computation_lowered:
.L_overlay_start_0:
0x88: {  	s2 =	sld [smem:$0x3FD9]  }
0x89: {  	s3 =	sld [smem:$0x3FFE];
	_ =	sdelay $0x1  }
0x8a: {  	s1 =	srdreg.scid  }
0x8b: {  	s0 =	sand.u32 $0x1, s1  }
0x8c: {  	s16 =	sshll.u32 s0, $0xA;
	s2 =	sadd.s32 s3, s2  }
0x8d: {  	s2 =	sadd.s32 s2, s16  }
0x8e: {  	[smem:$0x3FC2] =	sst s2  }
0x8f: {  	_ = 	snop  }
0x90: {  	(tm) =	ssettm $0x1  }
0x91: {  	s17 =	sld [smem:$0x3FFB];
	_ =	sdelay $0x3  }
0x92: {  	_ =	strace s17  }
0x93: {  	s2 =	sld [smem:$0x3FFC];
	_ =	sdelay $0x3  }
0x94: {  	_ =	strace s2  }
0x95: {  	s2 =	sld [smem:$0x3FFD];
	_ =	sdelay $0x3  }
0x96: {  	_ =	strace s2  }
0x97: {  	_ =	strace $0x8FFFFFFF  }
0x98: {  	s18 =	sld [smem:$0x3FDB];
	_ =	sdelay $0x1  }
0x99: {  	s19 =	simm.s32 $_scs_section_size  }
0x9a: {  	s4 =	simm.s32 $_size__tile_overlayer_lowered;
	s5 =	simm.s32 $_tile_overlayer_lowered  }
0x9b: {  	s22 =	simm.s32 $0x1BFF;
	s21 =	sshll.u32 s5, $0x1;
	s2 =	sadd.s32 s19, s18  }
0x9c: {  	s6 =	simm.s32 $0x0;
	s20 =	sshll.u32 s4, $0x1;
	s4 =	sadd.s32 s21, s2  }
0x9d: {  	[timem:s6], [sflag:s22] =	dma.local [hbm:s4], s20  }
0x9e: {  	_ =	swait.ge [sflag:s22], s20  }
0x9f: {  	s3 =	ssub.s32 $0x0, s20;
	[sflag:s22] =	ssyncset.done $0x0  }
0xa0: {  	[sflag:s22] =	ssyncadd.s32 s3;
	_ =	sdelay $0x1  }
0xa1: {  	s23 =	simm.s32 $0x1B8B  }
0xa2: {  	_ =	swait.ge [sflag:s23], $0x1  }
0xa3: {  	[sflag:s23] =	ssyncset.done $0x0  }
0xa4: {  	s25 =	simm.s32 $0x1B8E;
	s24 =	sld [smem:$0x3FFE];
	[sflag:s23] =	ssyncadd.s32 $0xFFFFFFFF  }
0xa5: {  	s26 =	simm.s32 $execute0_lowered;
	[smem:$0x3FD2] =	sst s25  }
0xa6: {  	s4 =	sshll.u32 s26, $0x1;
	_ =	strace $0x80000046;
	[dreg:$0x1] =	wrdreg $0xFFFFFFFF  }
0xa7: {  	s28 =	simm.s32 $_size_execute0_lowered;
	s2 =	sadd.s32 s2, s4;
	[dreg:$0x0] =	wrdreg $0x0  }
0xa8: {  	s4 =	sshll.u32 s28, $0x1;
	[dreg:$0x2] =	wrdreg s2  }
0xa9: {  	[dreg:$0x3] =	wrdreg s4  }
0xaa: {  	[dreg:$0x4] =	wrdreg $0xC0  }
0xab: {  	_ =	task [dreg:s6], $0x5FFFF  }
0xac: {  	[dreg:$0x1] =	wrdreg $0xFFFFFFFF  }
0xad: {  	[dreg:$0x0] =	wrdreg $0x60  }
0xae: {  	[dreg:$0x2] =	wrdreg s24  }
0xaf: {  	[dreg:$0x3] =	wrdreg $0x4F800  }
0xb0: {  	[dreg:$0x4] =	wrdreg $0x9  }
0xb1: {  	_ =	task.clear_ibuf [dreg:s6], $0x5FFFF;
	_ =	strace $0x90000046  }
0xb2: {  	s29 =	simm.s32 $0x9;
	_ =	strace $0x80000048  }
0xb3: {  	_ =	swait.ge [sflag:s29], $0x1  }
0xb4: {  	[sflag:s29] =	ssyncadd.s32 $0xFFFFFFFF  }
0xb5: {  	_ =	strace $0x90000048  }
0xb6: {  	_ =	sfence  }
0xb7: {  	s30 =	sld [smem:$0x0];
	_ =	sdelay $0x2  }
0xb8: {  	s31 =	sshll.u32 s1, $0xD;
	s1 =	sshrl.u32 s1, $0x2  }
0xb9: {  	s3 =	sand.u32 $0x4000, s31;
	s1 =	sadd.s32 s1, s30  }
0xba: {  	s0 =	sor.u32 s3, s0;
	s1 =	sshll.u32 s1, $0x11  }
0xbb: {  	s0 =	sor.u32 s1, s0  }
0xbc: {  	s0 =	sadd.s32 $0x8F2B, s0  }
0xbd: {  	[sflag:s0] =	ssyncadd.remote.s32 $0x1  }
0xbe: {  	_ =	sfence.sel $0xFFFF  }
0xbf: {  	[dreg:$0x0] =	wrdreg $0xFFFFFFFF;
	(pc) =	sbr.abs _section_cstart, $3  }
0xc0: {  	[dreg:$0x1] =	wrdreg $0xFFFFFFFF  }
0xc1: {  	_ =	task.clear_ibuf [dreg:s6], $0x2FFFF;
	_ =	strace $0x9FFFFFFF  }
0xc2: {  	(tm) =	ssettm $0x7FFFFFFF  }
0xc3: {  	_ =	shalt  }
tec
execute0_lowered:
.L_overlay_start_1:
0x0: {  	(tag) =	ssettag $0x1  }
0x1: {  	s3 =	rddreg [dreg:$0x0]  }
0x2: {  	s5 =	rddreg [dreg:$0x1]  }
0x3: {  	s0 =	rddreg [dreg:$0x2]  }
0x4: {  	s2 =	simm.s32 $0x0;
	s1 =	stileid.u32;
	s6 =	srdreg.scid  }
0x5: {  	s11 =	simm.s32 $0x400;
	s12 =	simm.s32 $0x7780;
	s4 =	smul.u32 $0x4E2, s1  }
0x6: {  	s13 =	simm.s32 $0x7A00;
	[smem:$0x7FF] =	sst s2;
	s7 =	smul.u32 $0x50, s1  }
0x7: {  	s14 =	sand.u32 $0x1, s6;
	s29 =	sshrl.u32 s1, $0x3;
	s9 =	smul.u32 $0x5000, s1  }
0x8: {  	s31 =	sshll.u32 s1, $0x7;
	_ =	strace $0x80000047;
	s8 =	ssub.s32 $0x2, s14  }
0x9: {  	s6 =	smul.u32 $0x50000, s29;
	s10 =	sand.u32 $0x380, s31;
	p0 =	sne.s32 s14, $0x0  }
0xa: {  	s4 =	sadd.s32 s4, s3;
	s7 =	sadd.s32 s7, s3;
	s30 =	sshrl.u32 s8, $0x1  }
0xb: {  	s9 =	sshrl.u32 s9, $0x2;
	s8 =	ssub.s32 s8, s30;
	s6 =	sshrl.u32 s6, $0x2  }
0xc: {  	s3 =	sadd.s32 $0x1200, s4;
	s6 =	sadd.s32 s6, s5;
	s5 =	sadd.s32 s9, s5  }
0xd: {  	s9 =	simm.s32 $0x2780;
	s4 =	sadd.s32 s10, s6;
	s6 =	sadd.s32 $0x6200, s7  }
0xe: {  	v0 =	vimm.f32 $0.0e+00;
	v1 =	vimm.f32 $1.000000000e+00;
	s7 =	smax.u32 s8, $0x1;
	s8 =	simm.s32 $0x1;
	s10 =	simm.s32 $0x80  }
.LBB2_1:
0xf: {  	s14 =	simm.s32 $0x40;
	s15 =	simm.s32 $0x0  }
.LBB2_2:
0x10: {  	p1 =	sne.s32 s14, $0x9FC0;
	[tilespmem:s15+$0x2780] =	vst v0;
	s15 =	smov.u32 s14;
	s14 =	sadd.s32 $0x40, s14  }
.Ltmp0:
0x11: {  	(pc) =	sbr.rel @p1 .LBB2_2-.Ltmp0, $2  }
0x12: {  	_ =	sdelay $0x2  }
0x13: {  	s15 =	sshra.s32 s15, $0x2  }
0x14: {  	[tilespmem:s15+$0x2780] =	vst v0;
	s14 =	simm.s32 $0x0  }
0x15: {  	[tilespmem:s14], [sflag:$0x1] =	stream.linear.gather [hbm4b:s3+s14], $0x2710, $0x38;
	[tilespmem:$0x7C80] =	vst v63  }
0x16: {  	_ =	swait.ge [sflag:s8], $0x2710  }
0x17: {  	[sflag:s8] =	ssyncset.done $0x0  }
0x18: {  	s15 =	simm.s32 $0x0;
	s14 =	simm.s32 $0x40;
	[sflag:s8] =	ssyncadd.s32 $0xFFFFD8F0  }
.LBB2_4:
0x19: {  	p1 =	sne.s32 s14, $0x9C00;
	v2 =	vld [tilespmem:s15+$0x0];
	_ =	sdelay $0x3  }
.Ltmp1:
0x1a: {  	(pc) =	sbr.rel @p1 .LBB2_4-.Ltmp1, $2  }
0x1b: {  	_ =	sdelay $0x2  }
0x1c: {  	s15 =	sshra.s32 s14, $0x2;
	s14 =	sadd.s32 $0x40, s14;
	[tilespmem:v2+s9+$0x0] =	vst.idx.add.f32.msk $0xffff, v1  }
0x1d: {  	v2 =	vld [tilespmem:s15+$0x0];
	_ =	sdelay $0x7  }
0x1e: {  	s14 =	simm.s32 $0x1;
	[tilespmem:v2+s9+$0x0] =	vst.idx.add.f32.msk $0xffff, v1  }
0x1f: {  	[spmem:s4] =	stream.strided.scatter [tilespmem:s9], [sflag:$0x1], $0x2800, s11, s10, $0x38;
	[tilespmem:$0x7C80] =	vst v63  }
0x20: {  	_ =	swait.ge [sflag:s14], $0x2800  }
0x21: {  	[sflag:s14] =	ssyncset.done $0x0  }
0x22: {  	[sflag:s14] =	ssyncadd.s32 $0xFFFFD800  }
0x23: {  	[bflag:$0x0] =	sbarrier.arrive $0xFFFF  }
0x24: {  	[tilespmem:s12], [sflag:$0x1] =	stream.strided.gather [spmem:s5], $0x280, s11, s10, $0x38;
	[tilespmem:$0x7C80] =	vst v63  }
0x25: {  	_ =	swait.ge [sflag:s14], $0x280  }
0x26: {  	[sflag:s14] =	ssyncset.done $0x0  }
0x27: {  	[sflag:s14] =	ssyncadd.s32 $0xFFFFFD80  }
.LBB2_6:
0x28: {  	s15 =	sshrl.u32 s14, $0x3  }
0x29: {  	s15 =	smul.u32 $0x50000, s15;
	_ =	sdelay $0x1  }
0x2a: {  	s16 =	sshll.u32 s14, $0x7;
	s15 =	sshra.s32 s15, $0x2  }
0x2b: {  	s16 =	sand.u32 $0x380, s16;
	s15 =	sadd.s32 s15, s5  }
0x2c: {  	s15 =	sadd.s32 s16, s15  }
0x2d: {  	[tilespmem:s13], [sflag:$0x1] =	stream.strided.gather [spmem:s15], $0x280, s11, s10, $0x38;
	[tilespmem:$0x7C80] =	vst v63  }
0x2e: {  	_ =	swait.ge [sflag:s8], $0x280  }
0x2f: {  	[sflag:s8] =	ssyncset.done $0x0  }
0x30: {  	s15 =	simm.s32 $0x0;
	[sflag:s8] =	ssyncadd.s32 $0xFFFFFD80  }
0x31: {  	s16 =	simm.s32 $0x40;
	v2 =	vld [tilespmem:s15+$0x7A00]  }
.LBB2_7:
0x32: {  	p1 =	sne.s32 s16, $0x9C0;
	v3 =	vld [tilespmem:s15+$0x7780];
	_ =	sdelay $0x2  }
.Ltmp2:
0x33: {  	(pc) =	sbr.rel @p1 .LBB2_7-.Ltmp2, $4  }
0x34: {  	_ = 	snop  }
0x35: {  	v3 =	vadd.f32 v2, v3  }
0x36: {  	s17 =	sshra.s32 s16, $0x2  }
0x37: {  	s16 =	sadd.s32 $0x40, s16;
	v2 =	vld [tilespmem:s17+$0x7A00];
	[tilespmem:s15+$0x7780] =	vst v3;
	s15 =	smov.u32 s17  }
0x38: {  	v3 =	vld [tilespmem:s15+$0x7780]  }
0x39: {  	s14 =	sadd.s32 $0x1, s14  }
0x3a: {  	p1 =	sne.s32 s14, $0x10  }
.Ltmp3:
0x3b: {  	_ = 	snop;
	(pc) =	sbr.rel @p1 .LBB2_6-.Ltmp3, $3  }
0x3c: {  	_ = 	snop  }
0x3d: {  	v2 =	vadd.f32 v2, v3;
	_ =	sdelay $0x1  }
0x3e: {  	[tilespmem:s15+$0x7780] =	vst v2  }
0x3f: {  	s14 =	simm.s32 $0x0;
	s15 =	simm.s32 $0x40  }
.LBB2_10:
0x40: {  	p1 =	sne.s32 s15, $0x9C0;
	v2 =	vld [tilespmem:s14+$0x7780];
	_ =	sdelay $0x4  }
0x41: {  	v2 =	vadd.f32 $1.000000000e+00, v2;
	_ =	sdelay $0x1  }
0x42: {  	v3 =	vshrl.u32 v2, $0x1;
	v2 =	vmul.f32 $5.000000000e-01, v2  }
0x43: {  	v3 =	vsub.s32 $0x5F3759DF, v3  }
0x44: {  	v4 =	vmul.f32 v3, v2;
	_ =	sdelay $0x1  }
0x45: {  	v4 =	vmul.f32 v3, v4;
	_ =	sdelay $0x1  }
0x46: {  	v4 =	vsub.f32 $1.500000000e+00, v4;
	_ =	sdelay $0x1  }
0x47: {  	v3 =	vmul.f32 v3, v4;
	_ =	sdelay $0x1  }
0x48: {  	v4 =	vmul.f32 v3, v2;
	_ =	sdelay $0x1  }
0x49: {  	v4 =	vmul.f32 v4, v3;
	_ =	sdelay $0x1  }
0x4a: {  	v4 =	vsub.f32 $1.500000000e+00, v4;
	_ =	sdelay $0x1  }
0x4b: {  	v3 =	vmul.f32 v4, v3;
	_ =	sdelay $0x1  }
0x4c: {  	v2 =	vmul.f32 v3, v2;
	_ =	sdelay $0x1  }
0x4d: {  	v2 =	vmul.f32 v2, v3;
	_ =	sdelay $0x1  }
.Ltmp4:
0x4e: {  	v2 =	vsub.f32 $1.500000000e+00, v2;
	(pc) =	sbr.rel @p1 .LBB2_10-.Ltmp4, $3  }
0x4f: {  	_ = 	snop  }
0x50: {  	v2 =	vmul.f32 v2, v3;
	_ =	sdelay $0x1  }
0x51: {  	[tilespmem:s14+$0x7780] =	vst v2;
	s14 =	sshra.s32 s15, $0x2;
	s15 =	sadd.s32 $0x40, s15  }
0x52: {  	v2 =	vld [tilespmem:s14+$0x7780];
	_ =	sdelay $0x4  }
0x53: {  	v2 =	vadd.f32 $1.000000000e+00, v2;
	_ =	sdelay $0x1  }
0x54: {  	v3 =	vshrl.u32 v2, $0x1;
	v2 =	vmul.f32 $5.000000000e-01, v2  }
0x55: {  	v3 =	vsub.s32 $0x5F3759DF, v3  }
0x56: {  	v4 =	vmul.f32 v3, v2;
	_ =	sdelay $0x1  }
0x57: {  	v4 =	vmul.f32 v3, v4;
	_ =	sdelay $0x1  }
0x58: {  	v4 =	vsub.f32 $1.500000000e+00, v4;
	_ =	sdelay $0x1  }
0x59: {  	v3 =	vmul.f32 v3, v4;
	_ =	sdelay $0x1  }
0x5a: {  	v4 =	vmul.f32 v3, v2;
	_ =	sdelay $0x1  }
0x5b: {  	v4 =	vmul.f32 v4, v3;
	_ =	sdelay $0x1  }
0x5c: {  	v4 =	vsub.f32 $1.500000000e+00, v4;
	_ =	sdelay $0x1  }
0x5d: {  	v3 =	vmul.f32 v4, v3;
	_ =	sdelay $0x1  }
0x5e: {  	v2 =	vmul.f32 v3, v2;
	_ =	sdelay $0x1  }
0x5f: {  	v2 =	vmul.f32 v2, v3;
	_ =	sdelay $0x1  }
0x60: {  	v2 =	vsub.f32 $1.500000000e+00, v2;
	_ =	sdelay $0x1  }
0x61: {  	v2 =	vmul.f32 v2, v3  }
0x62: {  	s2 =	sadd.s32 $0x1, s2  }
0x63: {  	s15 =	simm.s32 @!p0 $0x7780;
	p1 =	sne.s32 s2, s7;
	[tilespmem:s14+$0x7780] =	vst v2;
	s14 =	simm.s32 @!p0 $0x0  }
0x64: {  	[hbm4b:s6+s14] =	stream.linear.scatter @!p0 [tilespmem:s15], [sflag:$0x1], $0x280, $0x38;
	[tilespmem:$0x7C80] =	vst v63  }
.Ltmp5:
0x65: {  	_ = 	snop;
	(pc) =	sbr.rel @p1 .LBB2_1-.Ltmp5, $4  }
0x66: {  	s14 =	simm.s32 @!p0 $0x1  }
0x67: {  	_ =	swait.ge @!p0 [sflag:s14], $0x280  }
0x68: {  	[sflag:s14] =	ssyncset.done @!p0 $0x0  }
0x69: {  	[sflag:s14] =	ssyncadd.s32 @!p0 $0xFFFFFD80  }
0x6a: {  	_ =	sfence.sel $0x180000  }
0x6b: {  	[bflag:$0x0] =	sbarrier.arrive $0xFFFF  }
0x6c: {  	p0 =	sne.s32 s1, $0x0;
	_ =	strace $0x90000047  }
0x6d: {  	s0 =	sadd.s32 @!p0 $0x100000, s0;
	[bflag:$0x2] =	sbarrier.arrive $0xFFFF  }
0x6e: {  	[sflag:s0] =	ssyncadd.tile.s32 @!p0 $0x1;
	_ =	shalt  }
.Lfunc_end2:
_tile_overlayer_lowered:
.L_overlay_start_2:
0x6f: {  	(tag) =	ssettag $0x2  }
0x70: {  	s0 =	rddreg [dreg:$0x0];
	s2 =	stileid.u32  }
0x71: {  	s1 =	rddreg [dreg:$0x1];
	p0 =	sne.s32 s2, $0x0  }
0x72: {  	s3 =	rddreg [dreg:$0x2];
	[bflag:$0x3] =	sbarrier.arrive $0xFFFF;
	s2 =	simm.s32 @!p0 $0x1C01  }
0x73: {  	[timem:s3], [sflag:s2] =	dma.local @!p0 [hbm:s0], s1  }
0x74: {  	s0 =	simm.s32 @!p0 $0x1  }
0x75: {  	_ =	swait.ge @!p0 [sflag:s0], s1  }
0x76: {  	s1 =	ssub.s32 @!p0 $0x0, s1;
	[sflag:s0] =	ssyncset.done @!p0 $0x0  }
0x77: {  	[sflag:s0] =	ssyncadd.s32 @!p0 s1  }
0x78: {  	[bflag:$0x3] =	sbarrier.arrive $0xFFFF  }
0x79: {  	_ =	shalt  }

</sc_bundles>
